<compile_context>
chip_gen: v7x
topology: tpu7x:2x2x1
jax: 0.10.2.dev20260603
libtpu: 0.0.44.dev20260713+nightly
codegen_flags: <defaults>
</compile_context>

<pallas_src>
import functools

import jax
import jax.numpy as jnp
from jax import lax
from jax.experimental import pallas as pl
from jax.experimental.pallas import tpu as pltpu
from jax.experimental.pallas import tpu_sc as plsc


def _proj_body(z_ref, w_ref, b_ref, ze_ref):
    zb = z_ref[0]
    ze = lax.dot_general(zb, w_ref[...], (((0,), (1,)), ((), ())),
                         preferred_element_type=jnp.float32)
    ze_ref[0] = ze + b_ref[...]


def _run_proj(z3, proj_w, proj_b2):
    b, c, hw = z3.shape
    e_dim = proj_w.shape[0]
    return pl.pallas_call(
        _proj_body,
        grid=(b,),
        in_specs=[
            pl.BlockSpec((1, c, hw), lambda i: (i, 0, 0)),
            pl.BlockSpec((e_dim, c), lambda i: (0, 0)),
            pl.BlockSpec((1, e_dim), lambda i: (0, 0)),
        ],
        out_specs=pl.BlockSpec((1, hw, e_dim), lambda i: (i, 0, 0)),
        out_shape=jax.ShapeDtypeStruct((b, hw, e_dim), jnp.float32),
    )(z3, proj_w, proj_b2)


def _dist_body(kc, n_embed, ze_ref, fn_ref, e_ref, ind_ref):
    hw = ze_ref.shape[1]
    ze = ze_ref[0]
    lhs = (2.0 * ze).astype(jnp.bfloat16)
    fn = fn_ref[0]
    half = n_embed // 2
    winners = []
    for h in range(2):
        bv = None
        bi = None
        for c in range(half // kc):
            j0 = h * half + c * kc
            ewc = e_ref[pl.ds(j0, kc), :]
            cn = jnp.sum(ewc * ewc, axis=1)
            s2 = lax.dot_general(lhs, ewc, (((1,), (1,)), ((), ())),
                                 preferred_element_type=jnp.float32)
            d = (fn - s2) + cn[None, :]
            mv = jnp.min(d, axis=1, keepdims=True)
            ii = lax.broadcasted_iota(jnp.int32, (hw, kc), 1) + j0
            mi = jnp.min(jnp.where(d == mv, ii, n_embed), axis=1, keepdims=True)
            if bv is None:
                bv, bi = mv, mi
            else:
                upd = mv < bv
                bi = jnp.where(upd, mi, bi)
                bv = jnp.where(upd, mv, bv)
        winners.append((bv, bi))
    (d1, i1), (d2, i2) = winners
    take2 = d2 < d1.astype(jnp.bfloat16).astype(jnp.float32)
    ind_ref[0] = jnp.where(take2, i2, i1)


def _run_dist(ze, fn3, embed_w, kc=4096):
    b, hw, e_dim = ze.shape
    n_embed = embed_w.shape[0]
    body = functools.partial(_dist_body, kc, n_embed)
    return pl.pallas_call(
        body,
        grid=(b,),
        in_specs=[
            pl.BlockSpec((1, hw, e_dim), lambda i: (i, 0, 0)),
            pl.BlockSpec((1, hw, 1), lambda i: (i, 0, 0)),
            pl.BlockSpec((n_embed, e_dim), lambda i: (0, 0)),
        ],
        out_specs=pl.BlockSpec((1, hw, 1), lambda i: (i, 0, 0)),
        out_shape=jax.ShapeDtypeStruct((b, hw, 1), jnp.int32),
    )(ze, fn3, embed_w)


_SC_NC = 2
_SC_NS = 16
_SC_CH = 128


def _make_sc_gather(n_tok, e_dim):
    nw = _SC_NC * _SC_NS
    per_w = n_tok // nw
    n_ch = per_w // _SC_CH
    mesh = plsc.VectorSubcoreMesh(core_axis_name="c", subcore_axis_name="s",
                                  num_cores=_SC_NC, num_subcores=_SC_NS)

    @functools.partial(
        pl.kernel,
        mesh=mesh,
        out_type=jax.ShapeDtypeStruct((n_tok, e_dim), jnp.float32),
        scratch_types=[
            pltpu.VMEM((n_ch, _SC_CH), jnp.int32),
            pltpu.VMEM((_SC_CH, e_dim), jnp.float32),
            pltpu.SemaphoreType.DMA,
        ],
    )
    def gather_k(table_hbm, idx_hbm, out_hbm, idx_v, rows_v, sem):
        wid = lax.axis_index("s") * _SC_NC + lax.axis_index("c")
        pltpu.sync_copy(idx_hbm.at[wid], idx_v)
        for j in range(n_ch):
            pltpu.async_copy(table_hbm.at[idx_v.at[j]], rows_v, sem).wait()
            pltpu.sync_copy(rows_v,
                            out_hbm.at[pl.ds(wid * per_w + j * _SC_CH, _SC_CH)])

    return gather_k


def _st_body(ze_ref, zq_ref, out_ref, sum_ref):
    i = pl.program_id(0)
    ze = ze_ref[0]
    zq = zq_ref[0]
    dd = zq - ze
    out_ref[0] = (ze + dd).T
    ps = jnp.sum(dd * dd, keepdims=True)

    @pl.when(i == 0)
    def _():
        sum_ref[...] = ps

    @pl.when(i > 0)
    def _():
        sum_ref[...] += ps


def _run_st(ze, zq):
    b, hw, e_dim = ze.shape
    return pl.pallas_call(
        _st_body,
        grid=(b,),
        in_specs=[
            pl.BlockSpec((1, hw, e_dim), lambda i: (i, 0, 0)),
            pl.BlockSpec((1, hw, e_dim), lambda i: (i, 0, 0)),
        ],
        out_specs=[
            pl.BlockSpec((1, e_dim, hw), lambda i: (i, 0, 0)),
            pl.BlockSpec((1, 1), lambda i: (0, 0)),
        ],
        out_shape=[
            jax.ShapeDtypeStruct((b, e_dim, hw), jnp.float32),
            jax.ShapeDtypeStruct((1, 1), jnp.float32),
        ],
    )(ze, zq)


def kernel(z, proj_w, proj_b, embed_w):
    b, c, h, w = z.shape
    hw = h * w
    e_dim = proj_w.shape[0]
    n_tok = b * hw

    ze = _run_proj(z.reshape(b, c, hw), proj_w, proj_b.reshape(1, e_dim))
    ze_sel = (jnp.einsum('bchw,ec->bhwe', z, proj_w) + proj_b).reshape(b, hw, e_dim)
    fn3 = jnp.sum(ze_sel.reshape(n_tok, e_dim) ** 2, axis=1).reshape(b, hw, 1)
    ind3 = _run_dist(ze_sel, fn3, embed_w)

    idx = ind3.reshape(_SC_NC * _SC_NS, -1, _SC_CH)
    zq = _make_sc_gather(n_tok, e_dim)(embed_w, idx).reshape(b, hw, e_dim)
    zqt, ssum = _run_st(ze, zq)
    m = ssum[0, 0] / jnp.float32(n_tok * e_dim)
    diff = (0.25 * m + m) * 10.0
    return (zqt.reshape(b, e_dim, h, w), diff, ind3.reshape(b, h, w))

# --- scband reference (transcript-rebuilt; emitter-appended) ---
"""Pipeline reference for scband-vqvaequantize-1580547972584 (READ-ONLY COPY).

The authoritative reference and input builder live on the scoring server;
editing this copy changes nothing except your own understanding.
"""

import jax, jax.numpy as jnp
import numpy as np

B, C, H, W = 16, 768, 32, 32
EMBED_DIM = 256
N_EMBED = 8192


def setup_inputs(seed: int = 0) -> dict:
    key = jax.random.key(seed)
    k1, k2, k3 = jax.random.split(key, 3)
    z = jax.random.normal(k1, (B, C, H, W), dtype=jnp.float32)
    # 1x1 conv == per-pixel linear: weight [out_ch, in_ch], bias [out_ch]
    proj_w = jax.random.normal(k2, (EMBED_DIM, C), dtype=jnp.float32) * 0.02
    proj_b = jnp.zeros((EMBED_DIM,), dtype=jnp.float32)
    embed_w = jax.random.normal(k3, (N_EMBED, EMBED_DIM), dtype=jnp.float32) * 0.05
    return {"z": z, "proj_w": proj_w, "proj_b": proj_b, "embed_w": embed_w}


def reference(z, proj_w, proj_b, embed_w):
    # eval-mode forward (data_initialized assumed set; kmeans init skipped)
    Bz, Cz, Hz, Wz = z.shape
    e_dim = proj_w.shape[0]
    sg = jax.lax.stop_gradient
    # proj: 1x1 conv then permute to NHWC
    z_e = jnp.einsum('bchw,ec->bhwe', z, proj_w) + proj_b
    flatten = z_e.reshape(-1, e_dim)
    # squared-euclidean distance to every codebook entry
    dist = (jnp.sum(flatten ** 2, axis=1, keepdims=True)
            - 2.0 * flatten @ embed_w.T
            + jnp.sum(embed_w ** 2, axis=1)[None, :])
    ind = jnp.argmax(-dist, axis=1)
    ind = ind.reshape(Bz, Hz, Wz)
    z_q = jnp.take(embed_w, ind, axis=0)
    commitment_cost = 0.25
    diff = commitment_cost * jnp.mean((sg(z_q) - z_e) ** 2) + jnp.mean((z_q - sg(z_e)) ** 2)
    diff = diff * 10.0  # kld_scale
    # straight-through estimator
    z_q = z_e + sg(z_q - z_e)
    z_q = jnp.transpose(z_q, (0, 3, 1, 2))
    return (z_q, diff, ind)

if __name__ == "__main__":
    import jax
    _d = setup_inputs()
    print(jax.jit(kernel)(*tuple(_d.values())))

</pallas_src>

<mosaic_0001>
#map = affine_map<(d0, d1) -> (0, 0)>
#map1 = affine_map<(d0, d1) -> (0, 0, 0)>
module attributes {stable_mosaic.version = 14 : i64} {
  func.func @gather_k(%arg0: i32, %arg1: i32, %arg2: memref<8192x256xf32, #tpu.memory_space<hbm>>, %arg3: memref<32x4x128xi32, #tpu.memory_space<hbm>>, %arg4: memref<16384x256xf32, #tpu.memory_space<hbm>>, %arg5: memref<4x128xi32, #tpu.memory_space<vmem>>, %arg6: memref<128x256xf32, #tpu.memory_space<vmem>>, %arg7: memref<!tpu.dma_semaphore, #tpu.memory_space<semaphore_mem>>) attributes {dimension_semantics = [#tpu.dimension_semantics<core_parallel>, #tpu.dimension_semantics<subcore_parallel>], iteration_bounds = array<i64: 2, 16>, scalar_prefetch = 0 : i64, scratch_operands = 3 : i64, tpu.core_type = #tpu.core_type<sc_vector_subcore>, window_params = [{transform_indices = #map}, {transform_indices = #map1}, {transform_indices = #map}]} {
    %mul3A = arith.constant 2 : i32
    %mul3A_0 = arith.muli %arg1, %mul3A : i32
    %add3A = arith.addi %mul3A_0, %arg0 : i32
    "tpu.region"() ({
      %run_scoped3A = tpu.sem_alloc : memref<!tpu.dma_semaphore, #tpu.memory_space<semaphore_mem>>
      %dma_start3A_71 = arith.constant 0 : i32
      %dma_start3A_72 = arith.constant 0 : i32
      %dma_start3A_73 = tpu.memref_slice %arg3[%add3A, %dma_start3A_71, %dma_start3A_72] : memref<32x4x128xi32, #tpu.memory_space<hbm>> -> memref<1x4x128xi32, #tpu.memory_space<hbm>>
      %dma_start3A_74 = tpu.memref_squeeze %dma_start3A_73 : memref<1x4x128xi32, #tpu.memory_space<hbm>> -> memref<4x128xi32, #tpu.memory_space<hbm>>
      %dma_start3A_75 = arith.constant 0 : i32
      %dma_start3A_76 = arith.constant 0 : i32
      %dma_start3A_77 = tpu.memref_slice %arg3[%add3A, %dma_start3A_75, %dma_start3A_76] : memref<32x4x128xi32, #tpu.memory_space<hbm>> -> memref<1x4x128xi32, #tpu.memory_space<hbm>>
      %dma_start3A_78 = tpu.memref_squeeze %dma_start3A_77 : memref<1x4x128xi32, #tpu.memory_space<hbm>> -> memref<4x128xi32, #tpu.memory_space<hbm>>
      tpu.enqueue_dma source(%dma_start3A_78 : memref<4x128xi32, #tpu.memory_space<hbm>>) target(%arg5 : memref<4x128xi32, #tpu.memory_space<vmem>>) target_semaphore(%run_scoped3A : memref<!tpu.dma_semaphore, #tpu.memory_space<semaphore_mem>>)
      %dma_wait3A_79 = arith.constant 0 : i32
      %dma_wait3A_80 = arith.constant 0 : i32
      %dma_wait3A_81 = tpu.memref_slice %arg3[%add3A, %dma_wait3A_79, %dma_wait3A_80] : memref<32x4x128xi32, #tpu.memory_space<hbm>> -> memref<1x4x128xi32, #tpu.memory_space<hbm>>
      %dma_wait3A_82 = tpu.memref_squeeze %dma_wait3A_81 : memref<1x4x128xi32, #tpu.memory_space<hbm>> -> memref<4x128xi32, #tpu.memory_space<hbm>>
      %dma_wait3A_83 = arith.constant 0 : i32
      %dma_wait3A_84 = arith.constant 0 : i32
      %dma_wait3A_85 = tpu.memref_slice %arg3[%add3A, %dma_wait3A_83, %dma_wait3A_84] : memref<32x4x128xi32, #tpu.memory_space<hbm>> -> memref<1x4x128xi32, #tpu.memory_space<hbm>>
      %dma_wait3A_86 = tpu.memref_squeeze %dma_wait3A_85 : memref<1x4x128xi32, #tpu.memory_space<hbm>> -> memref<4x128xi32, #tpu.memory_space<hbm>>
      tpu.wait_dma2 semaphore(%run_scoped3A : memref<!tpu.dma_semaphore, #tpu.memory_space<semaphore_mem>>) src(%dma_wait3A_86 : memref<4x128xi32, #tpu.memory_space<hbm>>) dst(%arg5 : memref<4x128xi32, #tpu.memory_space<vmem>>)
      tpu.yield
    }) : () -> ()
    %dma_start3A = arith.constant 0 : i32
    %dma_start3A_1 = arith.constant 0 : i32
    %dma_start3A_2 = tpu.memref_slice %arg5[%dma_start3A, %dma_start3A_1] : memref<4x128xi32, #tpu.memory_space<vmem>> -> memref<1x128xi32, #tpu.memory_space<vmem>>
    %dma_start3A_3 = tpu.memref_squeeze %dma_start3A_2 : memref<1x128xi32, #tpu.memory_space<vmem>> -> memref<128xi32, #tpu.memory_space<vmem>>
    %dma_start3A_4 = arith.constant 0 : i32
    %dma_start3A_5 = arith.constant 0 : i32
    %dma_start3A_6 = tpu.memref_slice %arg2[%dma_start3A_4, %dma_start3A_5] : memref<8192x256xf32, #tpu.memory_space<hbm>> -> memref<8192x256xf32, #tpu.memory_space<hbm>>
    tpu.enqueue_indirect_dma source(%dma_start3A_6 : memref<8192x256xf32, #tpu.memory_space<hbm>>) target(%arg6 : memref<128x256xf32, #tpu.memory_space<vmem>>) offsets(%dma_start3A_3 : memref<128xi32, #tpu.memory_space<vmem>>) semaphore(%arg7 : memref<!tpu.dma_semaphore, #tpu.memory_space<semaphore_mem>>)
    %dma_wait3A = arith.constant 0 : i32
    %dma_wait3A_7 = arith.constant 0 : i32
    %dma_wait3A_8 = tpu.memref_slice %arg5[%dma_wait3A, %dma_wait3A_7] : memref<4x128xi32, #tpu.memory_space<vmem>> -> memref<1x128xi32, #tpu.memory_space<vmem>>
    %dma_wait3A_9 = tpu.memref_squeeze %dma_wait3A_8 : memref<1x128xi32, #tpu.memory_space<vmem>> -> memref<128xi32, #tpu.memory_space<vmem>>
    %dma_wait3A_10 = arith.constant 0 : i32
    %dma_wait3A_11 = arith.constant 0 : i32
    %dma_wait3A_12 = tpu.memref_slice %arg2[%dma_wait3A_10, %dma_wait3A_11] : memref<8192x256xf32, #tpu.memory_space<hbm>> -> memref<8192x256xf32, #tpu.memory_space<hbm>>
    tpu.wait_indirect_dma semaphore(%arg7 : memref<!tpu.dma_semaphore, #tpu.memory_space<semaphore_mem>>) src(%dma_wait3A_12 : memref<8192x256xf32, #tpu.memory_space<hbm>>) dst(%arg6 : memref<128x256xf32, #tpu.memory_space<vmem>>)
    %mul3A_13 = arith.constant 512 : i32
    %mul3A_14 = arith.muli %add3A, %mul3A_13 : i32
    %add3A_15 = arith.constant 0 : i32
    %add3A_16 = arith.addi %mul3A_14, %add3A_15 : i32
    "tpu.region"() ({
      %run_scoped3A = tpu.sem_alloc : memref<!tpu.dma_semaphore, #tpu.memory_space<semaphore_mem>>
      %dma_start3A_71 = arith.constant 0 : i32
      %dma_start3A_72 = tpu.memref_slice %arg4[%add3A_16, %dma_start3A_71] : memref<16384x256xf32, #tpu.memory_space<hbm>> -> memref<128x256xf32, #tpu.memory_space<hbm>>
      %dma_start3A_73 = arith.constant 0 : i32
      %dma_start3A_74 = tpu.memref_slice %arg4[%add3A_16, %dma_start3A_73] : memref<16384x256xf32, #tpu.memory_space<hbm>> -> memref<128x256xf32, #tpu.memory_space<hbm>>
      tpu.enqueue_dma source(%arg6 : memref<128x256xf32, #tpu.memory_space<vmem>>) target(%dma_start3A_74 : memref<128x256xf32, #tpu.memory_space<hbm>>) target_semaphore(%run_scoped3A : memref<!tpu.dma_semaphore, #tpu.memory_space<semaphore_mem>>)
      %dma_wait3A_75 = arith.constant 0 : i32
      %dma_wait3A_76 = tpu.memref_slice %arg4[%add3A_16, %dma_wait3A_75] : memref<16384x256xf32, #tpu.memory_space<hbm>> -> memref<128x256xf32, #tpu.memory_space<hbm>>
      %dma_wait3A_77 = arith.constant 0 : i32
      %dma_wait3A_78 = tpu.memref_slice %arg4[%add3A_16, %dma_wait3A_77] : memref<16384x256xf32, #tpu.memory_space<hbm>> -> memref<128x256xf32, #tpu.memory_space<hbm>>
      tpu.wait_dma2 semaphore(%run_scoped3A : memref<!tpu.dma_semaphore, #tpu.memory_space<semaphore_mem>>) src(%arg6 : memref<128x256xf32, #tpu.memory_space<vmem>>) dst(%dma_wait3A_78 : memref<128x256xf32, #tpu.memory_space<hbm>>)
      tpu.yield
    }) : () -> ()
    %dma_start3A_17 = arith.constant 1 : i32
    %dma_start3A_18 = arith.constant 0 : i32
    %dma_start3A_19 = tpu.memref_slice %arg5[%dma_start3A_17, %dma_start3A_18] : memref<4x128xi32, #tpu.memory_space<vmem>> -> memref<1x128xi32, #tpu.memory_space<vmem>>
    %dma_start3A_20 = tpu.memref_squeeze %dma_start3A_19 : memref<1x128xi32, #tpu.memory_space<vmem>> -> memref<128xi32, #tpu.memory_space<vmem>>
    %dma_start3A_21 = arith.constant 0 : i32
    %dma_start3A_22 = arith.constant 0 : i32
    %dma_start3A_23 = tpu.memref_slice %arg2[%dma_start3A_21, %dma_start3A_22] : memref<8192x256xf32, #tpu.memory_space<hbm>> -> memref<8192x256xf32, #tpu.memory_space<hbm>>
    tpu.enqueue_indirect_dma source(%dma_start3A_23 : memref<8192x256xf32, #tpu.memory_space<hbm>>) target(%arg6 : memref<128x256xf32, #tpu.memory_space<vmem>>) offsets(%dma_start3A_20 : memref<128xi32, #tpu.memory_space<vmem>>) semaphore(%arg7 : memref<!tpu.dma_semaphore, #tpu.memory_space<semaphore_mem>>)
    %dma_wait3A_24 = arith.constant 1 : i32
    %dma_wait3A_25 = arith.constant 0 : i32
    %dma_wait3A_26 = tpu.memref_slice %arg5[%dma_wait3A_24, %dma_wait3A_25] : memref<4x128xi32, #tpu.memory_space<vmem>> -> memref<1x128xi32, #tpu.memory_space<vmem>>
    %dma_wait3A_27 = tpu.memref_squeeze %dma_wait3A_26 : memref<1x128xi32, #tpu.memory_space<vmem>> -> memref<128xi32, #tpu.memory_space<vmem>>
    %dma_wait3A_28 = arith.constant 0 : i32
    %dma_wait3A_29 = arith.constant 0 : i32
    %dma_wait3A_30 = tpu.memref_slice %arg2[%dma_wait3A_28, %dma_wait3A_29] : memref<8192x256xf32, #tpu.memory_space<hbm>> -> memref<8192x256xf32, #tpu.memory_space<hbm>>
    tpu.wait_indirect_dma semaphore(%arg7 : memref<!tpu.dma_semaphore, #tpu.memory_space<semaphore_mem>>) src(%dma_wait3A_30 : memref<8192x256xf32, #tpu.memory_space<hbm>>) dst(%arg6 : memref<128x256xf32, #tpu.memory_space<vmem>>)
    %mul3A_31 = arith.constant 512 : i32
    %mul3A_32 = arith.muli %add3A, %mul3A_31 : i32
    %add3A_33 = arith.constant 128 : i32
    %add3A_34 = arith.addi %mul3A_32, %add3A_33 : i32
    "tpu.region"() ({
      %run_scoped3A = tpu.sem_alloc : memref<!tpu.dma_semaphore, #tpu.memory_space<semaphore_mem>>
      %dma_start3A_71 = arith.constant 0 : i32
      %dma_start3A_72 = tpu.memref_slice %arg4[%add3A_34, %dma_start3A_71] : memref<16384x256xf32, #tpu.memory_space<hbm>> -> memref<128x256xf32, #tpu.memory_space<hbm>>
      %dma_start3A_73 = arith.constant 0 : i32
      %dma_start3A_74 = tpu.memref_slice %arg4[%add3A_34, %dma_start3A_73] : memref<16384x256xf32, #tpu.memory_space<hbm>> -> memref<128x256xf32, #tpu.memory_space<hbm>>
      tpu.enqueue_dma source(%arg6 : memref<128x256xf32, #tpu.memory_space<vmem>>) target(%dma_start3A_74 : memref<128x256xf32, #tpu.memory_space<hbm>>) target_semaphore(%run_scoped3A : memref<!tpu.dma_semaphore, #tpu.memory_space<semaphore_mem>>)
      %dma_wait3A_75 = arith.constant 0 : i32
      %dma_wait3A_76 = tpu.memref_slice %arg4[%add3A_34, %dma_wait3A_75] : memref<16384x256xf32, #tpu.memory_space<hbm>> -> memref<128x256xf32, #tpu.memory_space<hbm>>
      %dma_wait3A_77 = arith.constant 0 : i32
      %dma_wait3A_78 = tpu.memref_slice %arg4[%add3A_34, %dma_wait3A_77] : memref<16384x256xf32, #tpu.memory_space<hbm>> -> memref<128x256xf32, #tpu.memory_space<hbm>>
      tpu.wait_dma2 semaphore(%run_scoped3A : memref<!tpu.dma_semaphore, #tpu.memory_space<semaphore_mem>>) src(%arg6 : memref<128x256xf32, #tpu.memory_space<vmem>>) dst(%dma_wait3A_78 : memref<128x256xf32, #tpu.memory_space<hbm>>)
      tpu.yield
    }) : () -> ()
    %dma_start3A_35 = arith.constant 2 : i32
    %dma_start3A_36 = arith.constant 0 : i32
    %dma_start3A_37 = tpu.memref_slice %arg5[%dma_start3A_35, %dma_start3A_36] : memref<4x128xi32, #tpu.memory_space<vmem>> -> memref<1x128xi32, #tpu.memory_space<vmem>>
    %dma_start3A_38 = tpu.memref_squeeze %dma_start3A_37 : memref<1x128xi32, #tpu.memory_space<vmem>> -> memref<128xi32, #tpu.memory_space<vmem>>
    %dma_start3A_39 = arith.constant 0 : i32
    %dma_start3A_40 = arith.constant 0 : i32
    %dma_start3A_41 = tpu.memref_slice %arg2[%dma_start3A_39, %dma_start3A_40] : memref<8192x256xf32, #tpu.memory_space<hbm>> -> memref<8192x256xf32, #tpu.memory_space<hbm>>
    tpu.enqueue_indirect_dma source(%dma_start3A_41 : memref<8192x256xf32, #tpu.memory_space<hbm>>) target(%arg6 : memref<128x256xf32, #tpu.memory_space<vmem>>) offsets(%dma_start3A_38 : memref<128xi32, #tpu.memory_space<vmem>>) semaphore(%arg7 : memref<!tpu.dma_semaphore, #tpu.memory_space<semaphore_mem>>)
    %dma_wait3A_42 = arith.constant 2 : i32
    %dma_wait3A_43 = arith.constant 0 : i32
    %dma_wait3A_44 = tpu.memref_slice %arg5[%dma_wait3A_42, %dma_wait3A_43] : memref<4x128xi32, #tpu.memory_space<vmem>> -> memref<1x128xi32, #tpu.memory_space<vmem>>
    %dma_wait3A_45 = tpu.memref_squeeze %dma_wait3A_44 : memref<1x128xi32, #tpu.memory_space<vmem>> -> memref<128xi32, #tpu.memory_space<vmem>>
    %dma_wait3A_46 = arith.constant 0 : i32
    %dma_wait3A_47 = arith.constant 0 : i32
    %dma_wait3A_48 = tpu.memref_slice %arg2[%dma_wait3A_46, %dma_wait3A_47] : memref<8192x256xf32, #tpu.memory_space<hbm>> -> memref<8192x256xf32, #tpu.memory_space<hbm>>
    tpu.wait_indirect_dma semaphore(%arg7 : memref<!tpu.dma_semaphore, #tpu.memory_space<semaphore_mem>>) src(%dma_wait3A_48 : memref<8192x256xf32, #tpu.memory_space<hbm>>) dst(%arg6 : memref<128x256xf32, #tpu.memory_space<vmem>>)
    %mul3A_49 = arith.constant 512 : i32
    %mul3A_50 = arith.muli %add3A, %mul3A_49 : i32
    %add3A_51 = arith.constant 256 : i32
    %add3A_52 = arith.addi %mul3A_50, %add3A_51 : i32
    "tpu.region"() ({
      %run_scoped3A = tpu.sem_alloc : memref<!tpu.dma_semaphore, #tpu.memory_space<semaphore_mem>>
      %dma_start3A_71 = arith.constant 0 : i32
      %dma_start3A_72 = tpu.memref_slice %arg4[%add3A_52, %dma_start3A_71] : memref<16384x256xf32, #tpu.memory_space<hbm>> -> memref<128x256xf32, #tpu.memory_space<hbm>>
      %dma_start3A_73 = arith.constant 0 : i32
      %dma_start3A_74 = tpu.memref_slice %arg4[%add3A_52, %dma_start3A_73] : memref<16384x256xf32, #tpu.memory_space<hbm>> -> memref<128x256xf32, #tpu.memory_space<hbm>>
      tpu.enqueue_dma source(%arg6 : memref<128x256xf32, #tpu.memory_space<vmem>>) target(%dma_start3A_74 : memref<128x256xf32, #tpu.memory_space<hbm>>) target_semaphore(%run_scoped3A : memref<!tpu.dma_semaphore, #tpu.memory_space<semaphore_mem>>)
      %dma_wait3A_75 = arith.constant 0 : i32
      %dma_wait3A_76 = tpu.memref_slice %arg4[%add3A_52, %dma_wait3A_75] : memref<16384x256xf32, #tpu.memory_space<hbm>> -> memref<128x256xf32, #tpu.memory_space<hbm>>
      %dma_wait3A_77 = arith.constant 0 : i32
      %dma_wait3A_78 = tpu.memref_slice %arg4[%add3A_52, %dma_wait3A_77] : memref<16384x256xf32, #tpu.memory_space<hbm>> -> memref<128x256xf32, #tpu.memory_space<hbm>>
      tpu.wait_dma2 semaphore(%run_scoped3A : memref<!tpu.dma_semaphore, #tpu.memory_space<semaphore_mem>>) src(%arg6 : memref<128x256xf32, #tpu.memory_space<vmem>>) dst(%dma_wait3A_78 : memref<128x256xf32, #tpu.memory_space<hbm>>)
      tpu.yield
    }) : () -> ()
    %dma_start3A_53 = arith.constant 3 : i32
    %dma_start3A_54 = arith.constant 0 : i32
    %dma_start3A_55 = tpu.memref_slice %arg5[%dma_start3A_53, %dma_start3A_54] : memref<4x128xi32, #tpu.memory_space<vmem>> -> memref<1x128xi32, #tpu.memory_space<vmem>>
    %dma_start3A_56 = tpu.memref_squeeze %dma_start3A_55 : memref<1x128xi32, #tpu.memory_space<vmem>> -> memref<128xi32, #tpu.memory_space<vmem>>
    %dma_start3A_57 = arith.constant 0 : i32
    %dma_start3A_58 = arith.constant 0 : i32
    %dma_start3A_59 = tpu.memref_slice %arg2[%dma_start3A_57, %dma_start3A_58] : memref<8192x256xf32, #tpu.memory_space<hbm>> -> memref<8192x256xf32, #tpu.memory_space<hbm>>
    tpu.enqueue_indirect_dma source(%dma_start3A_59 : memref<8192x256xf32, #tpu.memory_space<hbm>>) target(%arg6 : memref<128x256xf32, #tpu.memory_space<vmem>>) offsets(%dma_start3A_56 : memref<128xi32, #tpu.memory_space<vmem>>) semaphore(%arg7 : memref<!tpu.dma_semaphore, #tpu.memory_space<semaphore_mem>>)
    %dma_wait3A_60 = arith.constant 3 : i32
    %dma_wait3A_61 = arith.constant 0 : i32
    %dma_wait3A_62 = tpu.memref_slice %arg5[%dma_wait3A_60, %dma_wait3A_61] : memref<4x128xi32, #tpu.memory_space<vmem>> -> memref<1x128xi32, #tpu.memory_space<vmem>>
    %dma_wait3A_63 = tpu.memref_squeeze %dma_wait3A_62 : memref<1x128xi32, #tpu.memory_space<vmem>> -> memref<128xi32, #tpu.memory_space<vmem>>
    %dma_wait3A_64 = arith.constant 0 : i32
    %dma_wait3A_65 = arith.constant 0 : i32
    %dma_wait3A_66 = tpu.memref_slice %arg2[%dma_wait3A_64, %dma_wait3A_65] : memref<8192x256xf32, #tpu.memory_space<hbm>> -> memref<8192x256xf32, #tpu.memory_space<hbm>>
    tpu.wait_indirect_dma semaphore(%arg7 : memref<!tpu.dma_semaphore, #tpu.memory_space<semaphore_mem>>) src(%dma_wait3A_66 : memref<8192x256xf32, #tpu.memory_space<hbm>>) dst(%arg6 : memref<128x256xf32, #tpu.memory_space<vmem>>)
    %mul3A_67 = arith.constant 512 : i32
    %mul3A_68 = arith.muli %add3A, %mul3A_67 : i32
    %add3A_69 = arith.constant 384 : i32
    %add3A_70 = arith.addi %mul3A_68, %add3A_69 : i32
    "tpu.region"() ({
      %run_scoped3A = tpu.sem_alloc : memref<!tpu.dma_semaphore, #tpu.memory_space<semaphore_mem>>
      %dma_start3A_71 = arith.constant 0 : i32
      %dma_start3A_72 = tpu.memref_slice %arg4[%add3A_70, %dma_start3A_71] : memref<16384x256xf32, #tpu.memory_space<hbm>> -> memref<128x256xf32, #tpu.memory_space<hbm>>
      %dma_start3A_73 = arith.constant 0 : i32
      %dma_start3A_74 = tpu.memref_slice %arg4[%add3A_70, %dma_start3A_73] : memref<16384x256xf32, #tpu.memory_space<hbm>> -> memref<128x256xf32, #tpu.memory_space<hbm>>
      tpu.enqueue_dma source(%arg6 : memref<128x256xf32, #tpu.memory_space<vmem>>) target(%dma_start3A_74 : memref<128x256xf32, #tpu.memory_space<hbm>>) target_semaphore(%run_scoped3A : memref<!tpu.dma_semaphore, #tpu.memory_space<semaphore_mem>>)
      %dma_wait3A_75 = arith.constant 0 : i32
      %dma_wait3A_76 = tpu.memref_slice %arg4[%add3A_70, %dma_wait3A_75] : memref<16384x256xf32, #tpu.memory_space<hbm>> -> memref<128x256xf32, #tpu.memory_space<hbm>>
      %dma_wait3A_77 = arith.constant 0 : i32
      %dma_wait3A_78 = tpu.memref_slice %arg4[%add3A_70, %dma_wait3A_77] : memref<16384x256xf32, #tpu.memory_space<hbm>> -> memref<128x256xf32, #tpu.memory_space<hbm>>
      tpu.wait_dma2 semaphore(%run_scoped3A : memref<!tpu.dma_semaphore, #tpu.memory_space<semaphore_mem>>) src(%arg6 : memref<128x256xf32, #tpu.memory_space<vmem>>) dst(%dma_wait3A_78 : memref<128x256xf32, #tpu.memory_space<hbm>>)
      tpu.yield
    }) : () -> ()
    return
  }
}

module attributes {stable_mosaic.version = 14 : i64} {
  func.func @_dist_body(%arg0: i32, %arg1: memref<1x1024x256xf32, #tpu.memory_space<vmem>>, %arg2: memref<1x1024x1xf32, #tpu.memory_space<vmem>>, %arg3: memref<8192x256xf32, #tpu.memory_space<vmem>>, %arg4: memref<1x1024x1xi32, #tpu.memory_space<vmem>>) attributes {dimension_semantics = [#tpu.dimension_semantics<arbitrary>], iteration_bounds = array<i64: 16>, scalar_prefetch = 0 : i64, scratch_operands = 0 : i64, tpu.core_type = #tpu.core_type<tc>, window_params = [{transform_indices = @transform_0, window_bounds = array<i64: 1, 1024, 256>}, {transform_indices = @transform_1, window_bounds = array<i64: 1, 1024, 1>}, {pipeline_mode = #tpu.pipeline_mode<synchronous>, transform_indices = @transform_2, window_bounds = array<i64: 8192, 256>}, {transform_indices = @transform_3, window_bounds = array<i64: 1, 1024, 1>}]} {
    %get3A = arith.constant 0 : index
    %get3A_0 = arith.constant 0 : index
    %get3A_1 = arith.constant 0 : index
    %get3A_2 = vector.load %arg1[%get3A, %get3A_0, %get3A_1] : memref<1x1024x256xf32, #tpu.memory_space<vmem>>, vector<1x1024x256xf32>
    %get3A_3 = vector.shape_cast %get3A_2 : vector<1x1024x256xf32> to vector<1024x256xf32>
    %mul3A = arith.constant 2.000000e+00 : f32
    %mul3A_4 = vector.broadcast %mul3A : f32 to vector<1024x256xf32>
    %mul3A_5 = arith.mulf %mul3A_4, %get3A_3 : vector<1024x256xf32>
    %convert_element_type3A = arith.truncf %mul3A_5 : vector<1024x256xf32> to vector<1024x256xbf16>
    %get3A_6 = arith.constant 0 : index
    %get3A_7 = arith.constant 0 : index
    %get3A_8 = arith.constant 0 : index
    %get3A_9 = vector.load %arg2[%get3A_6, %get3A_7, %get3A_8] : memref<1x1024x1xf32, #tpu.memory_space<vmem>>, vector<1x1024x1xf32>
    %get3A_10 = vector.shape_cast %get3A_9 : vector<1x1024x1xf32> to vector<1024x1xf32>
    %get3A_11 = arith.constant 0 : index
    %get3A_12 = arith.constant 0 : index
    %get3A_13 = vector.load %arg3[%get3A_11, %get3A_12] : memref<8192x256xf32, #tpu.memory_space<vmem>>, vector<4096x256xf32>
    %mul3A_14 = arith.mulf %get3A_13, %get3A_13 : vector<4096x256xf32>
    %reduce_sum3A = arith.constant dense<0.000000e+00> : vector<4096xf32>
    %reduce_sum3A_15 = vector.multi_reduction <add>, %mul3A_14, %reduce_sum3A [1] : vector<4096x256xf32> to vector<4096xf32>
    %dot_general3A = arith.constant dense<0.000000e+00> : vector<1024x4096xf32>
    %dot_general3A_16 = tpu.matmul %convert_element_type3A, %get3A_13, %dot_general3A {dimension_numbers = #tpu.dot_dimension_numbers<[1], [1], [0], [0], [0, 0, 1, 0], [], []>, transpose_lhs_hint = false} : vector<1024x256xbf16>, vector<4096x256xf32>, vector<1024x4096xf32> -> vector<1024x4096xf32>
    %sub3A = vector.broadcast %get3A_10 : vector<1024x1xf32> to vector<1024x4096xf32>
    %sub3A_17 = arith.subf %sub3A, %dot_general3A_16 : vector<1024x4096xf32>
    %broadcast_in_dim3A = vector.shape_cast %reduce_sum3A_15 : vector<4096xf32> to vector<1x4096xf32>
    %add3A = vector.broadcast %broadcast_in_dim3A : vector<1x4096xf32> to vector<1024x4096xf32>
    %add3A_18 = arith.addf %sub3A_17, %add3A : vector<1024x4096xf32>
    %reduce_min3A = arith.constant dense<0x7F800000> : vector<1024xf32>
    %reduce_min3A_19 = vector.multi_reduction <minimumf>, %add3A_18, %reduce_min3A [1] : vector<1024x4096xf32> to vector<1024xf32>
    %broadcast_in_dim3A_20 = vector.shape_cast %reduce_min3A_19 : vector<1024xf32> to vector<1024x1xf32>
    %iota3A = tpu.iota {dimensions = array<i32: 1>} : vector<1024x4096xi32>
    %add3A_21 = arith.constant 0 : i32
    %add3A_22 = vector.broadcast %add3A_21 : i32 to vector<1024x4096xi32>
    %add3A_23 = arith.addi %iota3A, %add3A_22 : vector<1024x4096xi32>
    %eq3A = vector.broadcast %broadcast_in_dim3A_20 : vector<1024x1xf32> to vector<1024x4096xf32>
    %eq3A_24 = arith.cmpf oeq, %add3A_18, %eq3A : vector<1024x4096xf32>
    %jit3A = arith.constant 8192 : i32
    %broadcast_in_dim3A_25 = vector.broadcast %jit3A : i32 to vector<1024x4096xi32>
    %select_n3A = arith.select %eq3A_24, %add3A_23, %broadcast_in_dim3A_25 : vector<1024x4096xi1>, vector<1024x4096xi32>
    %reduce_min3A_26 = arith.constant dense<2147483647> : vector<1024xi32>
    %reduce_min3A_27 = vector.multi_reduction <minsi>, %select_n3A, %reduce_min3A_26 [1] : vector<1024x4096xi32> to vector<1024xi32>
    %broadcast_in_dim3A_28 = vector.shape_cast %reduce_min3A_27 : vector<1024xi32> to vector<1024x1xi32>
    %get3A_29 = arith.constant 4096 : index
    %get3A_30 = arith.constant 0 : index
    %get3A_31 = vector.load %arg3[%get3A_29, %get3A_30] : memref<8192x256xf32, #tpu.memory_space<vmem>>, vector<4096x256xf32>
    %mul3A_32 = arith.mulf %get3A_31, %get3A_31 : vector<4096x256xf32>
    %reduce_sum3A_33 = arith.constant dense<0.000000e+00> : vector<4096xf32>
    %reduce_sum3A_34 = vector.multi_reduction <add>, %mul3A_32, %reduce_sum3A_33 [1] : vector<4096x256xf32> to vector<4096xf32>
    %dot_general3A_35 = arith.constant dense<0.000000e+00> : vector<1024x4096xf32>
    %dot_general3A_36 = tpu.matmul %convert_element_type3A, %get3A_31, %dot_general3A_35 {dimension_numbers = #tpu.dot_dimension_numbers<[1], [1], [0], [0], [0, 0, 1, 0], [], []>, transpose_lhs_hint = false} : vector<1024x256xbf16>, vector<4096x256xf32>, vector<1024x4096xf32> -> vector<1024x4096xf32>
    %sub3A_37 = vector.broadcast %get3A_10 : vector<1024x1xf32> to vector<1024x4096xf32>
    %sub3A_38 = arith.subf %sub3A_37, %dot_general3A_36 : vector<1024x4096xf32>
    %broadcast_in_dim3A_39 = vector.shape_cast %reduce_sum3A_34 : vector<4096xf32> to vector<1x4096xf32>
    %add3A_40 = vector.broadcast %broadcast_in_dim3A_39 : vector<1x4096xf32> to vector<1024x4096xf32>
    %add3A_41 = arith.addf %sub3A_38, %add3A_40 : vector<1024x4096xf32>
    %reduce_min3A_42 = arith.constant dense<0x7F800000> : vector<1024xf32>
    %reduce_min3A_43 = vector.multi_reduction <minimumf>, %add3A_41, %reduce_min3A_42 [1] : vector<1024x4096xf32> to vector<1024xf32>
    %broadcast_in_dim3A_44 = vector.shape_cast %reduce_min3A_43 : vector<1024xf32> to vector<1024x1xf32>
    %iota3A_45 = tpu.iota {dimensions = array<i32: 1>} : vector<1024x4096xi32>
    %add3A_46 = arith.constant 4096 : i32
    %add3A_47 = vector.broadcast %add3A_46 : i32 to vector<1024x4096xi32>
    %add3A_48 = arith.addi %iota3A_45, %add3A_47 : vector<1024x4096xi32>
    %eq3A_49 = vector.broadcast %broadcast_in_dim3A_44 : vector<1024x1xf32> to vector<1024x4096xf32>
    %eq3A_50 = arith.cmpf oeq, %add3A_41, %eq3A_49 : vector<1024x4096xf32>
    %jit3A_51 = arith.constant 8192 : i32
    %broadcast_in_dim3A_52 = vector.broadcast %jit3A_51 : i32 to vector<1024x4096xi32>
    %select_n3A_53 = arith.select %eq3A_50, %add3A_48, %broadcast_in_dim3A_52 : vector<1024x4096xi1>, vector<1024x4096xi32>
    %reduce_min3A_54 = arith.constant dense<2147483647> : vector<1024xi32>
    %reduce_min3A_55 = vector.multi_reduction <minsi>, %select_n3A_53, %reduce_min3A_54 [1] : vector<1024x4096xi32> to vector<1024xi32>
    %broadcast_in_dim3A_56 = vector.shape_cast %reduce_min3A_55 : vector<1024xi32> to vector<1024x1xi32>
    %convert_element_type3A_57 = arith.truncf %broadcast_in_dim3A_20 : vector<1024x1xf32> to vector<1024x1xbf16>
    %convert_element_type3A_58 = arith.extf %convert_element_type3A_57 : vector<1024x1xbf16> to vector<1024x1xf32>
    %lt3A = arith.cmpf olt, %broadcast_in_dim3A_44, %convert_element_type3A_58 : vector<1024x1xf32>
    %select_n3A_59 = arith.select %lt3A, %broadcast_in_dim3A_56, %broadcast_in_dim3A_28 : vector<1024x1xi1>, vector<1024x1xi32>
    %swap3A = arith.constant 0 : index
    %swap3A_60 = arith.constant 0 : index
    %swap3A_61 = arith.constant 0 : index
    %swap3A_62 = vector.load %arg4[%swap3A, %swap3A_60, %swap3A_61] : memref<1x1024x1xi32, #tpu.memory_space<vmem>>, vector<1x1024x1xi32>
    %swap3A_63 = vector.shape_cast %swap3A_62 : vector<1x1024x1xi32> to vector<1024x1xi32>
    %swap3A_64 = vector.shape_cast %select_n3A_59 : vector<1024x1xi32> to vector<1x1024x1xi32>
    tpu.vector_store %arg4[%swap3A, %swap3A_60, %swap3A_61], %swap3A_64 {strides = array<i32>} : memref<1x1024x1xi32, #tpu.memory_space<vmem>>, vector<1x1024x1xi32>,
    return
  }
  func.func @transform_0(%arg0: i32) -> (i32, i32, i32) {
    %c0_i32 = arith.constant 0 : i32
    %c0_i32_0 = arith.constant 0 : i32
    %c0_i32_1 = arith.constant 0 : i32
    return %arg0, %c0_i32, %c0_i32_0 : i32, i32, i32
  }
  func.func @transform_1(%arg0: i32) -> (i32, i32, i32) {
    %c0_i32 = arith.constant 0 : i32
    %c0_i32_0 = arith.constant 0 : i32
    %c0_i32_1 = arith.constant 0 : i32
    return %arg0, %c0_i32, %c0_i32_0 : i32, i32, i32
  }
  func.func @transform_2(%arg0: i32) -> (i32, i32) {
    %c0_i32 = arith.constant 0 : i32
    %c0_i32_0 = arith.constant 0 : i32
    %c0_i32_1 = arith.constant 0 : i32
    return %c0_i32, %c0_i32_0 : i32, i32
  }
  func.func @transform_3(%arg0: i32) -> (i32, i32, i32) {
    %c0_i32 = arith.constant 0 : i32
    %c0_i32_0 = arith.constant 0 : i32
    %c0_i32_1 = arith.constant 0 : i32
    return %arg0, %c0_i32, %c0_i32_0 : i32, i32, i32
  }
}

module attributes {stable_mosaic.version = 14 : i64} {
  func.func @_st_body(%arg0: i32, %arg1: memref<1x1024x256xf32, #tpu.memory_space<vmem>>, %arg2: memref<1x1024x256xf32, #tpu.memory_space<vmem>>, %arg3: memref<1x256x1024xf32, #tpu.memory_space<vmem>>, %arg4: memref<1x1xf32, #tpu.memory_space<vmem>>) attributes {dimension_semantics = [#tpu.dimension_semantics<arbitrary>], iteration_bounds = array<i64: 16>, scalar_prefetch = 0 : i64, scratch_operands = 0 : i64, tpu.core_type = #tpu.core_type<tc>, window_params = [{transform_indices = @transform_0, window_bounds = array<i64: 1, 1024, 256>}, {transform_indices = @transform_1, window_bounds = array<i64: 1, 1024, 256>}, {transform_indices = @transform_2, window_bounds = array<i64: 1, 256, 1024>}, {pipeline_mode = #tpu.pipeline_mode<synchronous>, transform_indices = @transform_3, window_bounds = array<i64: 1, 1>}]} {
    %get3A = arith.constant 0 : index
    %get3A_0 = arith.constant 0 : index
    %get3A_1 = arith.constant 0 : index
    %get3A_2 = vector.load %arg1[%get3A, %get3A_0, %get3A_1] : memref<1x1024x256xf32, #tpu.memory_space<vmem>>, vector<1x1024x256xf32>
    %get3A_3 = vector.shape_cast %get3A_2 : vector<1x1024x256xf32> to vector<1024x256xf32>
    %get3A_4 = arith.constant 0 : index
    %get3A_5 = arith.constant 0 : index
    %get3A_6 = arith.constant 0 : index
    %get3A_7 = vector.load %arg2[%get3A_4, %get3A_5, %get3A_6] : memref<1x1024x256xf32, #tpu.memory_space<vmem>>, vector<1x1024x256xf32>
    %get3A_8 = vector.shape_cast %get3A_7 : vector<1x1024x256xf32> to vector<1024x256xf32>
    %sub3A = arith.subf %get3A_8, %get3A_3 : vector<1024x256xf32>
    %add3A = arith.addf %get3A_3, %sub3A : vector<1024x256xf32>
    %transpose3A = tpu.transpose %add3A, [1, 0] : vector<1024x256xf32> -> vector<256x1024xf32>
    %swap3A = arith.constant 0 : index
    %swap3A_9 = arith.constant 0 : index
    %swap3A_10 = arith.constant 0 : index
    %swap3A_11 = vector.load %arg3[%swap3A, %swap3A_9, %swap3A_10] : memref<1x256x1024xf32, #tpu.memory_space<vmem>>, vector<1x256x1024xf32>
    %swap3A_12 = vector.shape_cast %swap3A_11 : vector<1x256x1024xf32> to vector<256x1024xf32>
    %swap3A_13 = vector.shape_cast %transpose3A : vector<256x1024xf32> to vector<1x256x1024xf32>
    tpu.vector_store %arg3[%swap3A, %swap3A_9, %swap3A_10], %swap3A_13 {strides = array<i32>} : memref<1x256x1024xf32, #tpu.memory_space<vmem>>, vector<1x256x1024xf32>,
    %mul3A = arith.mulf %sub3A, %sub3A : vector<1024x256xf32>
    %reduce_sum3A = vector.shape_cast %mul3A : vector<1024x256xf32> to vector<1x1024x256xf32>
    %reduce_sum3A_14 = arith.constant dense<0.000000e+00> : vector<1xf32>
    %reduce_sum3A_15 = vector.multi_reduction <add>, %reduce_sum3A, %reduce_sum3A_14 [1, 2] : vector<1x1024x256xf32> to vector<1xf32>
    %reduce_sum3A_16 = vector.shape_cast %reduce_sum3A_15 : vector<1xf32> to vector<1x1x1xf32>
    %reduce_sum3A_17 = vector.extract %reduce_sum3A_16[0, 0, 0] : f32 from vector<1x1x1xf32>
    %broadcast_in_dim3A = vector.broadcast %reduce_sum3A_17 : f32 to vector<1x1xf32>
    %eq3A = arith.constant 0 : i32
    %eq3A_18 = arith.cmpi eq, %arg0, %eq3A : i32
    %convert_element_type3A = arith.extui %eq3A_18 : i1 to i32
    %cond3A = arith.constant 0 : i32
    %cond3A_19 = arith.cmpi ne, %convert_element_type3A, %cond3A : i32
    scf.if %cond3A_19 {
      %swap3A_24 = arith.constant 0 : index
      %swap3A_25 = arith.constant 0 : index
      %swap3A_26 = vector.load %arg4[%swap3A_24, %swap3A_25] : memref<1x1xf32, #tpu.memory_space<vmem>>, vector<1x1xf32>
      tpu.vector_store %arg4[%swap3A_24, %swap3A_25], %broadcast_in_dim3A {strides = array<i32>} : memref<1x1xf32, #tpu.memory_space<vmem>>, vector<1x1xf32>,
    } else {
    }
    %gt3A = arith.constant 0 : i32
    %gt3A_20 = arith.cmpi sgt, %arg0, %gt3A : i32
    %convert_element_type3A_21 = arith.extui %gt3A_20 : i1 to i32
    %cond3A_22 = arith.constant 0 : i32
    %cond3A_23 = arith.cmpi ne, %convert_element_type3A_21, %cond3A_22 : i32
    scf.if %cond3A_23 {
      %get3A_24 = arith.constant 0 : index
      %get3A_25 = arith.constant 0 : index
      %get3A_26 = vector.load %arg4[%get3A_24, %get3A_25] : memref<1x1xf32, #tpu.memory_space<vmem>>, vector<1x1xf32>
      %add3A_27 = arith.addf %get3A_26, %broadcast_in_dim3A : vector<1x1xf32>
      %swap3A_28 = arith.constant 0 : index
      %swap3A_29 = arith.constant 0 : index
      %swap3A_30 = vector.load %arg4[%swap3A_28, %swap3A_29] : memref<1x1xf32, #tpu.memory_space<vmem>>, vector<1x1xf32>
      tpu.vector_store %arg4[%swap3A_28, %swap3A_29], %add3A_27 {strides = array<i32>} : memref<1x1xf32, #tpu.memory_space<vmem>>, vector<1x1xf32>,
    } else {
    }
    return
  }
  func.func @transform_0(%arg0: i32) -> (i32, i32, i32) {
    %c0_i32 = arith.constant 0 : i32
    %c0_i32_0 = arith.constant 0 : i32
    %c0_i32_1 = arith.constant 0 : i32
    return %arg0, %c0_i32, %c0_i32_0 : i32, i32, i32
  }
  func.func @transform_1(%arg0: i32) -> (i32, i32, i32) {
    %c0_i32 = arith.constant 0 : i32
    %c0_i32_0 = arith.constant 0 : i32
    %c0_i32_1 = arith.constant 0 : i32
    return %arg0, %c0_i32, %c0_i32_0 : i32, i32, i32
  }
  func.func @transform_2(%arg0: i32) -> (i32, i32, i32) {
    %c0_i32 = arith.constant 0 : i32
    %c0_i32_0 = arith.constant 0 : i32
    %c0_i32_1 = arith.constant 0 : i32
    return %arg0, %c0_i32, %c0_i32_0 : i32, i32, i32
  }
  func.func @transform_3(%arg0: i32) -> (i32, i32) {
    %c0_i32 = arith.constant 0 : i32
    %c0_i32_0 = arith.constant 0 : i32
    %c0_i32_1 = arith.constant 0 : i32
    return %c0_i32, %c0_i32_0 : i32, i32
  }
}

module attributes {stable_mosaic.version = 14 : i64} {
  func.func @_proj_body(%arg0: i32, %arg1: memref<1x768x1024xf32, #tpu.memory_space<vmem>>, %arg2: memref<256x768xf32, #tpu.memory_space<vmem>>, %arg3: memref<1x256xf32, #tpu.memory_space<vmem>>, %arg4: memref<1x1024x256xf32, #tpu.memory_space<vmem>>) attributes {dimension_semantics = [#tpu.dimension_semantics<arbitrary>], iteration_bounds = array<i64: 16>, scalar_prefetch = 0 : i64, scratch_operands = 0 : i64, tpu.core_type = #tpu.core_type<tc>, window_params = [{transform_indices = @transform_0, window_bounds = array<i64: 1, 768, 1024>}, {pipeline_mode = #tpu.pipeline_mode<synchronous>, transform_indices = @transform_1, window_bounds = array<i64: 256, 768>}, {pipeline_mode = #tpu.pipeline_mode<synchronous>, transform_indices = @transform_2, window_bounds = array<i64: 1, 256>}, {transform_indices = @transform_3, window_bounds = array<i64: 1, 1024, 256>}]} {
    %get3A = arith.constant 0 : index
    %get3A_0 = arith.constant 0 : index
    %get3A_1 = arith.constant 0 : index
    %get3A_2 = vector.load %arg1[%get3A, %get3A_0, %get3A_1] : memref<1x768x1024xf32, #tpu.memory_space<vmem>>, vector<1x768x1024xf32>
    %get3A_3 = vector.shape_cast %get3A_2 : vector<1x768x1024xf32> to vector<768x1024xf32>
    %get3A_4 = arith.constant 0 : index
    %get3A_5 = arith.constant 0 : index
    %get3A_6 = vector.load %arg2[%get3A_4, %get3A_5] : memref<256x768xf32, #tpu.memory_space<vmem>>, vector<256x768xf32>
    %dot_general3A = arith.constant dense<0.000000e+00> : vector<1024x256xf32>
    %dot_general3A_7 = tpu.matmul %get3A_3, %get3A_6, %dot_general3A {dimension_numbers = #tpu.dot_dimension_numbers<[0], [1], [1], [0], [0, 1, 1, 0], [], []>, transpose_lhs_hint = false} : vector<768x1024xf32>, vector<256x768xf32>, vector<1024x256xf32> -> vector<1024x256xf32>
    %get3A_8 = arith.constant 0 : index
    %get3A_9 = arith.constant 0 : index
    %get3A_10 = vector.load %arg3[%get3A_8, %get3A_9] : memref<1x256xf32, #tpu.memory_space<vmem>>, vector<1x256xf32>
    %add3A = vector.broadcast %get3A_10 : vector<1x256xf32> to vector<1024x256xf32>
    %add3A_11 = arith.addf %dot_general3A_7, %add3A : vector<1024x256xf32>
    %swap3A = arith.constant 0 : index
    %swap3A_12 = arith.constant 0 : index
    %swap3A_13 = arith.constant 0 : index
    %swap3A_14 = vector.load %arg4[%swap3A, %swap3A_12, %swap3A_13] : memref<1x1024x256xf32, #tpu.memory_space<vmem>>, vector<1x1024x256xf32>
    %swap3A_15 = vector.shape_cast %swap3A_14 : vector<1x1024x256xf32> to vector<1024x256xf32>
    %swap3A_16 = vector.shape_cast %add3A_11 : vector<1024x256xf32> to vector<1x1024x256xf32>
    tpu.vector_store %arg4[%swap3A, %swap3A_12, %swap3A_13], %swap3A_16 {strides = array<i32>} : memref<1x1024x256xf32, #tpu.memory_space<vmem>>, vector<1x1024x256xf32>,
    return
  }
  func.func @transform_0(%arg0: i32) -> (i32, i32, i32) {
    %c0_i32 = arith.constant 0 : i32
    %c0_i32_0 = arith.constant 0 : i32
    %c0_i32_1 = arith.constant 0 : i32
    return %arg0, %c0_i32, %c0_i32_0 : i32, i32, i32
  }
  func.func @transform_1(%arg0: i32) -> (i32, i32) {
    %c0_i32 = arith.constant 0 : i32
    %c0_i32_0 = arith.constant 0 : i32
    %c0_i32_1 = arith.constant 0 : i32
    return %c0_i32, %c0_i32_0 : i32, i32
  }
  func.func @transform_2(%arg0: i32) -> (i32, i32) {
    %c0_i32 = arith.constant 0 : i32
    %c0_i32_0 = arith.constant 0 : i32
    %c0_i32_1 = arith.constant 0 : i32
    return %c0_i32, %c0_i32_0 : i32, i32
  }
  func.func @transform_3(%arg0: i32) -> (i32, i32, i32) {
    %c0_i32 = arith.constant 0 : i32
    %c0_i32_0 = arith.constant 0 : i32
    %c0_i32_1 = arith.constant 0 : i32
    return %arg0, %c0_i32, %c0_i32_0 : i32, i32, i32
  }
}

</mosaic_0001>

<sc_bundles>
// kernel: kernel.6.cloned.1.call-start
scs
__scs_entry_jumppad:
0x0: {  	(pc) =	sbr.rel $0x88, $3  }
0x1: {  	(tag) =	ssettag $0x0;
	lr =	simm.s32 $0x1  }
0x2: {  	[smem:$0x3F9D] =	sst lr;
	_ =	strace $0xD0000000  }
0x3: {  	_ = 	snop  }
0x4: {  	_ = 	snop  }
0x5: {  	_ = 	snop  }
0x6: {  	_ = 	snop  }
0x7: {  	_ = 	snop  }
__scs_overlays_trampoline_lowered:
0x8: {  	[smem:$0x3FAC] =	sst s0  }
0x9: {  	[smem:$0x3FAD] =	sst s1  }
0xa: {  	[smem:$0x3FAE] =	sst s2  }
0xb: {  	[smem:$0x3FAF] =	sst s3  }
0xc: {  	[smem:$0x3FB0] =	sst s4  }
0xd: {  	[smem:$0x3FB1] =	sst s5  }
0xe: {  	[smem:$0x3FB2] =	sst s6  }
0xf: {  	[smem:$0x3FB3] =	sst s7  }
0x10: {  	[smem:$0x3FB4] =	sst s8  }
0x11: {  	[smem:$0x3FB5] =	sst s9;
	s0 =	simm.s32 @!p0 $0x0  }
0x12: {  	s1 =	sld [smem:$0x3F9B];
	s0 =	simm.s32 @p0 $0x1  }
0x13: {  	[smem:$0x3FB6] =	sst s0;
	s0 =	simm.s32 @!p1 $0x0  }
0x14: {  	s2 =	sld [smem:$0x3F9A];
	s0 =	simm.s32 @p1 $0x1  }
0x15: {  	[smem:$0x3FB7] =	sst s0;
	s0 =	simm.s32 @!p2 $0x0  }
0x16: {  	s3 =	sld [smem:$0x3FDB];
	s0 =	simm.s32 @p2 $0x1  }
0x17: {  	s4 =	simm.s32 $0x1BF5;
	[smem:$0x3FB9] =	sst s0  }
0x18: {  	s0 =	sld [smem:$0x3F9C];
	_ =	swait.ge [sflag:s4], $0x0  }
0x19: {  	s7 =	sld [smem:$0x3F9D]  }
0x1a: {  	s8 =	sadd.s32 $0xFFFFE003, lr  }
0x1b: {  	s9 =	sadd.s32 $0xFFFFFEF7, lr;
	s5 =	simm.s32 $0xFFFFFFFF;
	p2 =	slt.u32 s8, $0xFFFFF086  }
0x1c: {  	p1 =	slt.u32 s9, $0xF7A;
	s5 =	simm.s32 @!p2 $0x0  }
0x1d: {  	s5 =	simm.s32 @p1 $0x1;
	p0 =	seq.s32 s7, s2  }
0x1e: {  	s7 =	smul.u32 @!p0 $0xF7A, s2;
	p2 =	seq.s32 @!p0 s5, $0x0  }
0x1f: {  	s9 =	smul.u32 $0xF7A, s1;
	s8 =	simm.s32 @!p0 $0x1BF5;
	p2 =	por !p2, p0  }
0x20: {  	[sflag:s8] =	ssyncset.s32 @!p0 $0xFFFFF086;
	s6 =	sadd.s32 @!p0 s3, s7;
	s7 =	simm.s32 @!p0 $0x108  }
0x21: {  	s3 =	sadd.s32 s3, s9;
	s6 =	sadd.s32 @!p0 $0x88, s6;
	s7 =	simm.s32 @p2 $0x1082  }
0x22: {  	[simem:s7], [sflag:s8] =	dma.local @!p0 [hbm:s6], $0xF7A  }
0x23: {  	s9 =	sor.u32 $0xD0000000, s2;
	s6 =	simm.s32 $0x108;
	_ =	swait.ge @!p0 [sflag:s8], $0x0  }
0x24: {  	s3 =	sadd.s32 $0x88, s3;
	s6 =	simm.s32 @!p1 $0x1082;
	[sflag:s4] =	ssyncset.s32 $0xFFFFF086  }
0x25: {  	[simem:s6], [sflag:s4] =	dma.local [hbm:s3], $0xF7A  }
0x26: {  	[smem:$0x3F9D] =	sst s1;
	(tag) =	ssettag s2;
	_ =	strace s9  }
0x27: {  	s1 =	sld [smem:$0x3FAD]  }
0x28: {  	s2 =	sld [smem:$0x3FAE]  }
0x29: {  	s4 =	sld [smem:$0x3FB0]  }
0x2a: {  	p0 =	seq.s32 s5, $0x0;
	s5 =	sld [smem:$0x3FB1]  }
0x2b: {  	s6 =	sld [smem:$0x3FB2]  }
0x2c: {  	s7 =	sld [smem:$0x3FB3]  }
0x2d: {  	s3 =	simm.s32 $0x108;
	s8 =	sld [smem:$0x3FB4]  }
0x2e: {  	s3 =	simm.s32 @!p0 $0x1082;
	s9 =	sld [smem:$0x3FB5]  }
0x2f: {  	lr =	sadd.s32 s0, s3;
	s0 =	sld [smem:$0x3FAC]  }
0x30: {  	s3 =	sld [smem:$0x3FAF]  }
0x31: {  	[smem:$0x3FB8] =	sst s10  }
0x32: {  	s10 =	sld [smem:$0x3FB6];
	_ =	sdelay $0x3  }
0x33: {  	p0 =	seq.s32 s10, $0x1;
	s10 =	sld [smem:$0x3FB8];
	_ =	sdelay $0x3  }
0x34: {  	[smem:$0x3FB8] =	sst s10  }
0x35: {  	s10 =	sld [smem:$0x3FB7];
	_ =	sdelay $0x3  }
0x36: {  	p1 =	seq.s32 s10, $0x1;
	s10 =	sld [smem:$0x3FB8];
	_ =	sdelay $0x3  }
0x37: {  	[smem:$0x3FB8] =	sst s10  }
0x38: {  	s10 =	sld [smem:$0x3FB9]  }
0x39: {  	_ = 	snop;
	(pc) =	sbr.ind lr, $3  }
0x3a: {  	_ = 	snop  }
0x3b: {  	_ = 	snop  }
0x3c: {  	p2 =	seq.s32 s10, $0x1;
	s10 =	sld [smem:$0x3FB8]  }
0x3d: {  	_ =	shalt  }
0x3e: {  	_ =	shalt  }
0x3f: {  	_ =	shalt  }
0x40: {  	_ =	shalt  }
0x41: {  	_ =	shalt  }
0x42: {  	_ =	shalt  }
0x43: {  	_ =	shalt  }
0x44: {  	_ =	shalt  }
0x45: {  	_ =	shalt  }
0x46: {  	_ =	shalt  }
0x47: {  	_ =	shalt  }
0x48: {  	_ =	shalt  }
0x49: {  	_ =	shalt  }
0x4a: {  	_ =	shalt  }
0x4b: {  	_ =	shalt  }
0x4c: {  	_ =	shalt  }
0x4d: {  	_ =	shalt  }
0x4e: {  	_ =	shalt  }
0x4f: {  	_ =	shalt  }
0x50: {  	_ =	shalt  }
0x51: {  	_ =	shalt  }
0x52: {  	_ =	shalt  }
0x53: {  	_ =	shalt  }
0x54: {  	_ =	shalt  }
0x55: {  	_ =	shalt  }
0x56: {  	_ =	shalt  }
0x57: {  	_ =	shalt  }
0x58: {  	_ =	shalt  }
0x59: {  	_ =	shalt  }
0x5a: {  	_ =	shalt  }
0x5b: {  	_ =	shalt  }
0x5c: {  	_ =	shalt  }
0x5d: {  	_ =	shalt  }
0x5e: {  	_ =	shalt  }
0x5f: {  	_ =	shalt  }
0x60: {  	_ =	shalt  }
0x61: {  	_ =	shalt  }
0x62: {  	_ =	shalt  }
0x63: {  	_ =	shalt  }
0x64: {  	_ =	shalt  }
0x65: {  	_ =	shalt  }
0x66: {  	_ =	shalt  }
0x67: {  	_ =	shalt  }
0x68: {  	_ =	shalt  }
0x69: {  	_ =	shalt  }
0x6a: {  	_ =	shalt  }
0x6b: {  	_ =	shalt  }
0x6c: {  	_ =	shalt  }
0x6d: {  	_ =	shalt  }
0x6e: {  	_ =	shalt  }
0x6f: {  	_ =	shalt  }
0x70: {  	_ =	shalt  }
0x71: {  	_ =	shalt  }
0x72: {  	_ =	shalt  }
0x73: {  	_ =	shalt  }
0x74: {  	_ =	shalt  }
0x75: {  	_ =	shalt  }
0x76: {  	_ =	shalt  }
0x77: {  	_ =	shalt  }
0x78: {  	_ =	shalt  }
0x79: {  	_ =	shalt  }
0x7a: {  	_ =	shalt  }
0x7b: {  	_ =	shalt  }
0x7c: {  	_ =	shalt  }
0x7d: {  	_ =	shalt  }
0x7e: {  	_ =	shalt  }
0x7f: {  	_ =	shalt  }
0x80: {  	_ =	shalt  }
0x81: {  	_ =	shalt  }
0x82: {  	_ =	shalt  }
0x83: {  	_ =	shalt  }
0x84: {  	_ =	shalt  }
0x85: {  	_ =	shalt  }
0x86: {  	_ =	shalt  }
0x87: {  	_ =	shalt  }
.Lfunc_end0:
.L_simem_size_0:
called_computation_lowered:
.L_overlay_start_0:
0x88: {  	s2 =	sld [smem:$0x3FD9]  }
0x89: {  	s3 =	sld [smem:$0x3FFE];
	_ =	sdelay $0x1  }
0x8a: {  	s1 =	srdreg.scid  }
0x8b: {  	s0 =	sand.u32 $0x1, s1  }
0x8c: {  	s17 =	sshll.u32 s0, $0xA;
	s2 =	sadd.s32 s3, s2  }
0x8d: {  	s2 =	sadd.s32 s2, s17  }
0x8e: {  	[smem:$0x3FC4] =	sst s2  }
0x8f: {  	_ = 	snop  }
0x90: {  	s2 =	sld [smem:$0x3FC6];
	(tm) =	ssettm $0x1  }
0x91: {  	s18 =	sld [smem:$0x3FFB];
	_ =	sdelay $0x3  }
0x92: {  	_ =	strace s18  }
0x93: {  	s3 =	sld [smem:$0x3FFC];
	_ =	sdelay $0x3  }
0x94: {  	_ =	strace s3  }
0x95: {  	s3 =	sld [smem:$0x3FFD];
	_ =	sdelay $0x3  }
0x96: {  	_ =	strace s3  }
0x97: {  	_ =	strace $0x8FFFFFFF  }
0x98: {  	s19 =	sld [smem:$0x3FDB];
	_ =	sdelay $0x1  }
0x99: {  	s4 =	simm.s32 $_scs_section_size  }
0x9a: {  	s5 =	simm.s32 $_size__tile_overlayer_lowered;
	s6 =	simm.s32 $_tile_overlayer_lowered  }
0x9b: {  	s22 =	simm.s32 $0x1BFF;
	s21 =	sshll.u32 s6, $0x1;
	s3 =	sadd.s32 s4, s19  }
0x9c: {  	s7 =	simm.s32 $0x0;
	s20 =	sshll.u32 s5, $0x1;
	s5 =	sadd.s32 s21, s3  }
0x9d: {  	[timem:s7], [sflag:s22] =	dma.local [hbm:s5], s20  }
0x9e: {  	_ =	swait.ge [sflag:s22], s20  }
0x9f: {  	s4 =	ssub.s32 $0x0, s20;
	[sflag:s22] =	ssyncset.done $0x0  }
0xa0: {  	[sflag:s22] =	ssyncadd.s32 s4;
	_ =	sdelay $0x1  }
0xa1: {  	s23 =	simm.s32 $0x1B8B  }
0xa2: {  	_ =	swait.ge [sflag:s23], $0x1  }
0xa3: {  	[sflag:s23] =	ssyncset.done $0x0  }
0xa4: {  	s25 =	simm.s32 $0x1B8E;
	s24 =	sld [smem:$0x3FFE];
	[sflag:s23] =	ssyncadd.s32 $0xFFFFFFFF  }
0xa5: {  	s26 =	simm.s32 $execute0_lowered;
	[smem:$0x3FD2] =	sst s25  }
0xa6: {  	s5 =	sshll.u32 s26, $0x1;
	_ =	strace $0x80000046;
	[dreg:$0x1] =	wrdreg $0xFFFFFFFF  }
0xa7: {  	s28 =	simm.s32 $_size_execute0_lowered;
	s3 =	sadd.s32 s3, s5;
	[dreg:$0x0] =	wrdreg $0x0  }
0xa8: {  	s5 =	sshll.u32 s28, $0x1;
	[dreg:$0x2] =	wrdreg s3  }
0xa9: {  	[dreg:$0x3] =	wrdreg s5  }
0xaa: {  	[dreg:$0x4] =	wrdreg $0xC0  }
0xab: {  	_ =	task [dreg:s7], $0x5FFFF  }
0xac: {  	[dreg:$0x1] =	wrdreg $0xFFFFFFFF  }
0xad: {  	[dreg:$0x0] =	wrdreg $0x60  }
0xae: {  	[dreg:$0x2] =	wrdreg s2  }
0xaf: {  	[dreg:$0x3] =	wrdreg s24  }
0xb0: {  	[dreg:$0x4] =	wrdreg $0x9  }
0xb1: {  	_ =	task.clear_ibuf [dreg:s7], $0x5FFFF;
	_ =	strace $0x90000046  }
0xb2: {  	s29 =	simm.s32 $0x9;
	_ =	strace $0x80000048  }
0xb3: {  	_ =	swait.ge [sflag:s29], $0x1  }
0xb4: {  	[sflag:s29] =	ssyncadd.s32 $0xFFFFFFFF  }
0xb5: {  	_ =	strace $0x90000048  }
0xb6: {  	_ =	sfence  }
0xb7: {  	s30 =	sld [smem:$0x0];
	_ =	sdelay $0x2  }
0xb8: {  	s31 =	sshll.u32 s1, $0xD;
	s1 =	sshrl.u32 s1, $0x2  }
0xb9: {  	s3 =	sand.u32 $0x4000, s31;
	s1 =	sadd.s32 s1, s30  }
0xba: {  	s0 =	sor.u32 s3, s0;
	s1 =	sshll.u32 s1, $0x11  }
0xbb: {  	s0 =	sor.u32 s1, s0  }
0xbc: {  	s0 =	sadd.s32 $0x8F2B, s0  }
0xbd: {  	[sflag:s0] =	ssyncadd.remote.s32 $0x1  }
0xbe: {  	_ =	sfence.sel $0xFFFF  }
0xbf: {  	[dreg:$0x0] =	wrdreg $0xFFFFFFFF;
	(pc) =	sbr.abs _section_cstart, $3  }
0xc0: {  	[dreg:$0x1] =	wrdreg $0xFFFFFFFF  }
0xc1: {  	_ =	task.clear_ibuf [dreg:s7], $0x2FFFF;
	_ =	strace $0x9FFFFFFF  }
0xc2: {  	(tm) =	ssettm $0x7FFFFFFF  }
0xc3: {  	_ =	shalt  }
tec
execute0_lowered:
.L_overlay_start_1:
0x0: {  	(tag) =	ssettag $0x1  }
0x1: {  	s1 =	rddreg [dreg:$0x0]  }
0x2: {  	s4 =	rddreg [dreg:$0x1]  }
0x3: {  	s0 =	rddreg [dreg:$0x2];
	s5 =	srdreg.scid  }
0x4: {  	s3 =	simm.s32 $0x0;
	s2 =	stileid.u32;
	s11 =	simm.s32 $0x200  }
0x5: {  	s12 =	simm.s32 $0xA00;
	s13 =	simm.s32 $0x1200;
	s14 =	simm.s32 $0x1A00  }
0x6: {  	s15 =	simm.s32 $0x2200;
	s16 =	simm.s32 $0x2A00;
	s17 =	simm.s32 $0x3200  }
0x7: {  	s18 =	simm.s32 $0x3A00;
	s19 =	simm.s32 $0x4200;
	s20 =	simm.s32 $0x4A00  }
0x8: {  	s21 =	simm.s32 $0x5200;
	s22 =	simm.s32 $0x5A00;
	s23 =	simm.s32 $0x6200  }
0x9: {  	s24 =	simm.s32 $0x6A00;
	s25 =	simm.s32 $0x7200;
	s5 =	sand.u32 $0x1, s5  }
0xa: {  	s26 =	simm.s32 $0x7A00;
	s6 =	sshll.u32 s2, $0xA;
	s7 =	sshll.u32 s5, $0x9  }
0xb: {  	s28 =	simm.s32 $0x1;
	[smem:$0x7FF] =	sst s3;
	s6 =	sor.u32 s7, s6  }
0xc: {  	_ =	strace $0x80000047;
	s5 =	ssub.s32 $0x2, s5;
	s7 =	sshrl.u32 s6, $0x3  }
0xd: {  	s8 =	sshrl.u32 s5, $0x1;
	s6 =	sshll.u32 s6, $0x5;
	s7 =	sadd.s32 s7, s4  }
0xe: {  	v2 =	vlaneseq.u32;
	s10 =	ssub.s32 s5, s8;
	s9 =	sadd.s32 s6, s4;
	s4 =	sadd.s32 $0x400, s7  }
0xf: {  	vm0 =	vmmov $0xffff;
	v1 =	vshrl.u32 v2, $0x3;
	s5 =	sadd.s32 $0xC00, s9;
	s6 =	sadd.s32 $0x1C00, s9;
	s7 =	sadd.s32 $0x2C00, s9  }
0x10: {  	v0 =	vand.u32 $0x7, v2;
	v2 =	vor.u32 $0x8, v2;
	v1 =	vmul.u32 $0x8, v1;
	s8 =	sadd.s32 $0x3C00, s9;
	s9 =	smax.u32 s10, $0x1;
	s10 =	simm.s32 $0x2  }
.LBB2_1:
0x11: {  	[tilespmem:s3], [sflag:$0x2] =	stream.linear.gather [hbm4b:s4+s3], $0x200, $0x38;
	[tilespmem:$0x8200] =	vst v63  }
0x12: {  	_ =	swait.ge [sflag:s10], $0x200  }
0x13: {  	[sflag:s10] =	ssyncset.done $0x0  }
0x14: {  	[sflag:s10] =	ssyncadd.s32 $0xFFFFFE00  }
0x15: {  	v3 =	vld [tilespmem:$0x0];
	_ =	sdelay $0x4  }
0x16: {  	v4 =	vshll.u32 v3, $0x1  }
0x17: {  	v3 =	vand.u32 $0x7, v3;
	v4 =	vand.u32 $0xFFFFFFF0, v4  }
0x18: {  	v3 =	vor.u32 v3, v4  }
0x19: {  	v4 =	vperm.xlane v3, v0;
	_ =	sdelay $0x1  }
0x1a: {  	v3 =	vperm.xlane v3, v2;
	v4 =	vadd.s32 v1, v4;
	_ =	sdelay $0x1  }
0x1b: {  	v3 =	vadd.s32 v1, v3;
	_ =	sdelay $0x2  }
0x1c: {  	[tilespmem:s11], [sflag:$0x1] =	stream.indirect_vreg.gather [hbm4b:s1+s3], $0x80, v4, vm0, $0xb8;
	[tilespmem:$0x8200] =	vst v63  }
0x1d: {  	_ = 	snop  }
0x1e: {  	[tilespmem:s12], [sflag:$0x1] =	stream.indirect_vreg.gather [hbm4b:s1+s3], $0x80, v3, vm0, $0xb8;
	[tilespmem:$0x8200] =	vst v63  }
0x1f: {  	v3 =	vld [tilespmem:$0x10];
	_ =	sdelay $0x4  }
0x20: {  	v33 =	vshll.u32 v3, $0x1  }
0x21: {  	v3 =	vand.u32 $0x7, v3;
	v4 =	vand.u32 $0xFFFFFFF0, v33  }
0x22: {  	v3 =	vor.u32 v3, v4  }
0x23: {  	v4 =	vperm.xlane v3, v0;
	_ =	sdelay $0x1  }
0x24: {  	v3 =	vperm.xlane v3, v2;
	v4 =	vadd.s32 v1, v4;
	_ =	sdelay $0x1  }
0x25: {  	v3 =	vadd.s32 v1, v3;
	_ =	sdelay $0x2  }
0x26: {  	[tilespmem:s13], [sflag:$0x1] =	stream.indirect_vreg.gather [hbm4b:s1+s3], $0x80, v4, vm0, $0xb8;
	[tilespmem:$0x8200] =	vst v63  }
0x27: {  	_ = 	snop  }
0x28: {  	[tilespmem:s14], [sflag:$0x1] =	stream.indirect_vreg.gather [hbm4b:s1+s3], $0x80, v3, vm0, $0xb8;
	[tilespmem:$0x8200] =	vst v63  }
0x29: {  	v3 =	vld [tilespmem:$0x20];
	_ =	sdelay $0x4  }
0x2a: {  	v34 =	vshll.u32 v3, $0x1  }
0x2b: {  	v3 =	vand.u32 $0x7, v3;
	v4 =	vand.u32 $0xFFFFFFF0, v34  }
0x2c: {  	v3 =	vor.u32 v3, v4  }
0x2d: {  	v4 =	vperm.xlane v3, v0;
	_ =	sdelay $0x1  }
0x2e: {  	v3 =	vperm.xlane v3, v2;
	v4 =	vadd.s32 v1, v4;
	_ =	sdelay $0x1  }
0x2f: {  	v3 =	vadd.s32 v1, v3;
	_ =	sdelay $0x2  }
0x30: {  	[tilespmem:s15], [sflag:$0x1] =	stream.indirect_vreg.gather [hbm4b:s1+s3], $0x80, v4, vm0, $0xb8;
	[tilespmem:$0x8200] =	vst v63  }
0x31: {  	_ = 	snop  }
0x32: {  	[tilespmem:s16], [sflag:$0x1] =	stream.indirect_vreg.gather [hbm4b:s1+s3], $0x80, v3, vm0, $0xb8;
	[tilespmem:$0x8200] =	vst v63  }
0x33: {  	v3 =	vld [tilespmem:$0x30];
	_ =	sdelay $0x4  }
0x34: {  	v35 =	vshll.u32 v3, $0x1  }
0x35: {  	v3 =	vand.u32 $0x7, v3;
	v4 =	vand.u32 $0xFFFFFFF0, v35  }
0x36: {  	v3 =	vor.u32 v3, v4  }
0x37: {  	v4 =	vperm.xlane v3, v0;
	_ =	sdelay $0x1  }
0x38: {  	v3 =	vperm.xlane v3, v2;
	v4 =	vadd.s32 v1, v4;
	_ =	sdelay $0x1  }
0x39: {  	v3 =	vadd.s32 v1, v3;
	_ =	sdelay $0x2  }
0x3a: {  	[tilespmem:s17], [sflag:$0x1] =	stream.indirect_vreg.gather [hbm4b:s1+s3], $0x80, v4, vm0, $0xb8;
	[tilespmem:$0x8200] =	vst v63  }
0x3b: {  	_ = 	snop  }
0x3c: {  	[tilespmem:s18], [sflag:$0x1] =	stream.indirect_vreg.gather [hbm4b:s1+s3], $0x80, v3, vm0, $0xb8;
	[tilespmem:$0x8200] =	vst v63  }
0x3d: {  	v3 =	vld [tilespmem:$0x40];
	_ =	sdelay $0x4  }
0x3e: {  	v36 =	vshll.u32 v3, $0x1  }
0x3f: {  	v3 =	vand.u32 $0x7, v3;
	v4 =	vand.u32 $0xFFFFFFF0, v36  }
0x40: {  	v3 =	vor.u32 v3, v4  }
0x41: {  	v4 =	vperm.xlane v3, v0;
	_ =	sdelay $0x1  }
0x42: {  	v3 =	vperm.xlane v3, v2;
	v4 =	vadd.s32 v1, v4;
	_ =	sdelay $0x1  }
0x43: {  	v3 =	vadd.s32 v1, v3;
	_ =	sdelay $0x2  }
0x44: {  	[tilespmem:s19], [sflag:$0x1] =	stream.indirect_vreg.gather [hbm4b:s1+s3], $0x80, v4, vm0, $0xb8;
	[tilespmem:$0x8200] =	vst v63  }
0x45: {  	_ = 	snop  }
0x46: {  	[tilespmem:s20], [sflag:$0x1] =	stream.indirect_vreg.gather [hbm4b:s1+s3], $0x80, v3, vm0, $0xb8;
	[tilespmem:$0x8200] =	vst v63  }
0x47: {  	v3 =	vld [tilespmem:$0x50];
	_ =	sdelay $0x4  }
0x48: {  	v37 =	vshll.u32 v3, $0x1  }
0x49: {  	v3 =	vand.u32 $0x7, v3;
	v4 =	vand.u32 $0xFFFFFFF0, v37  }
0x4a: {  	v3 =	vor.u32 v3, v4  }
0x4b: {  	v4 =	vperm.xlane v3, v0;
	_ =	sdelay $0x1  }
0x4c: {  	v3 =	vperm.xlane v3, v2;
	v4 =	vadd.s32 v1, v4;
	_ =	sdelay $0x1  }
0x4d: {  	v3 =	vadd.s32 v1, v3;
	_ =	sdelay $0x2  }
0x4e: {  	[tilespmem:s21], [sflag:$0x1] =	stream.indirect_vreg.gather [hbm4b:s1+s3], $0x80, v4, vm0, $0xb8;
	[tilespmem:$0x8200] =	vst v63  }
0x4f: {  	_ = 	snop  }
0x50: {  	[tilespmem:s22], [sflag:$0x1] =	stream.indirect_vreg.gather [hbm4b:s1+s3], $0x80, v3, vm0, $0xb8;
	[tilespmem:$0x8200] =	vst v63  }
0x51: {  	v3 =	vld [tilespmem:$0x60];
	_ =	sdelay $0x4  }
0x52: {  	v38 =	vshll.u32 v3, $0x1  }
0x53: {  	v3 =	vand.u32 $0x7, v3;
	v4 =	vand.u32 $0xFFFFFFF0, v38  }
0x54: {  	v3 =	vor.u32 v3, v4  }
0x55: {  	v4 =	vperm.xlane v3, v0;
	_ =	sdelay $0x1  }
0x56: {  	v3 =	vperm.xlane v3, v2;
	v4 =	vadd.s32 v1, v4;
	_ =	sdelay $0x1  }
0x57: {  	v3 =	vadd.s32 v1, v3;
	_ =	sdelay $0x2  }
0x58: {  	[tilespmem:s23], [sflag:$0x1] =	stream.indirect_vreg.gather [hbm4b:s1+s3], $0x80, v4, vm0, $0xb8;
	[tilespmem:$0x8200] =	vst v63  }
0x59: {  	_ = 	snop  }
0x5a: {  	[tilespmem:s24], [sflag:$0x1] =	stream.indirect_vreg.gather [hbm4b:s1+s3], $0x80, v3, vm0, $0xb8;
	[tilespmem:$0x8200] =	vst v63  }
0x5b: {  	v3 =	vld [tilespmem:$0x70];
	_ =	sdelay $0x4  }
0x5c: {  	v39 =	vshll.u32 v3, $0x1  }
0x5d: {  	v3 =	vand.u32 $0x7, v3;
	v4 =	vand.u32 $0xFFFFFFF0, v39  }
0x5e: {  	v3 =	vor.u32 v3, v4  }
0x5f: {  	v4 =	vperm.xlane v3, v0;
	_ =	sdelay $0x1  }
0x60: {  	v3 =	vperm.xlane v3, v2;
	v4 =	vadd.s32 v1, v4;
	_ =	sdelay $0x1  }
0x61: {  	v3 =	vadd.s32 v1, v3;
	_ =	sdelay $0x2  }
0x62: {  	[tilespmem:s25], [sflag:$0x1] =	stream.indirect_vreg.gather [hbm4b:s1+s3], $0x80, v4, vm0, $0xb8;
	[tilespmem:$0x8200] =	vst v63  }
0x63: {  	_ = 	snop  }
0x64: {  	[tilespmem:s26], [sflag:$0x1] =	stream.indirect_vreg.gather [hbm4b:s1+s3], $0x80, v3, vm0, $0xb8;
	[tilespmem:$0x8200] =	vst v63  }
0x65: {  	_ =	swait.ge [sflag:s28], $0x8000  }
0x66: {  	[sflag:s28] =	ssyncset.done $0x0  }
0x67: {  	[sflag:s28] =	ssyncadd.s32 $0xFFFF8000  }
0x68: {  	[hbm4b:s5+s3] =	stream.linear.scatter [tilespmem:s11], [sflag:$0x2], $0x8000, $0x38;
	[tilespmem:$0x8200] =	vst v63  }
0x69: {  	_ =	swait.ge [sflag:s10], $0x8000  }
0x6a: {  	[sflag:s10] =	ssyncset.done $0x0  }
0x6b: {  	[sflag:s10] =	ssyncadd.s32 $0xFFFF8000  }
0x6c: {  	v3 =	vld [tilespmem:$0x80];
	_ =	sdelay $0x4  }
0x6d: {  	v40 =	vshll.u32 v3, $0x1  }
0x6e: {  	v3 =	vand.u32 $0x7, v3;
	v4 =	vand.u32 $0xFFFFFFF0, v40  }
0x6f: {  	v3 =	vor.u32 v3, v4  }
0x70: {  	v4 =	vperm.xlane v3, v0;
	_ =	sdelay $0x1  }
0x71: {  	v3 =	vperm.xlane v3, v2;
	v4 =	vadd.s32 v1, v4;
	_ =	sdelay $0x1  }
0x72: {  	v3 =	vadd.s32 v1, v3;
	_ =	sdelay $0x2  }
0x73: {  	[tilespmem:s11], [sflag:$0x1] =	stream.indirect_vreg.gather [hbm4b:s1+s3], $0x80, v4, vm0, $0xb8;
	[tilespmem:$0x8200] =	vst v63  }
0x74: {  	_ = 	snop  }
0x75: {  	[tilespmem:s12], [sflag:$0x1] =	stream.indirect_vreg.gather [hbm4b:s1+s3], $0x80, v3, vm0, $0xb8;
	[tilespmem:$0x8200] =	vst v63  }
0x76: {  	v3 =	vld [tilespmem:$0x90];
	_ =	sdelay $0x4  }
0x77: {  	v41 =	vshll.u32 v3, $0x1  }
0x78: {  	v3 =	vand.u32 $0x7, v3;
	v4 =	vand.u32 $0xFFFFFFF0, v41  }
0x79: {  	v3 =	vor.u32 v3, v4  }
0x7a: {  	v4 =	vperm.xlane v3, v0;
	_ =	sdelay $0x1  }
0x7b: {  	v3 =	vperm.xlane v3, v2;
	v4 =	vadd.s32 v1, v4;
	_ =	sdelay $0x1  }
0x7c: {  	v3 =	vadd.s32 v1, v3;
	_ =	sdelay $0x2  }
0x7d: {  	[tilespmem:s13], [sflag:$0x1] =	stream.indirect_vreg.gather [hbm4b:s1+s3], $0x80, v4, vm0, $0xb8;
	[tilespmem:$0x8200] =	vst v63  }
0x7e: {  	_ = 	snop  }
0x7f: {  	[tilespmem:s14], [sflag:$0x1] =	stream.indirect_vreg.gather [hbm4b:s1+s3], $0x80, v3, vm0, $0xb8;
	[tilespmem:$0x8200] =	vst v63  }
0x80: {  	v3 =	vld [tilespmem:$0xA0];
	_ =	sdelay $0x4  }
0x81: {  	v42 =	vshll.u32 v3, $0x1  }
0x82: {  	v3 =	vand.u32 $0x7, v3;
	v4 =	vand.u32 $0xFFFFFFF0, v42  }
0x83: {  	v3 =	vor.u32 v3, v4  }
0x84: {  	v4 =	vperm.xlane v3, v0;
	_ =	sdelay $0x1  }
0x85: {  	v3 =	vperm.xlane v3, v2;
	v4 =	vadd.s32 v1, v4;
	_ =	sdelay $0x1  }
0x86: {  	v3 =	vadd.s32 v1, v3;
	_ =	sdelay $0x2  }
0x87: {  	[tilespmem:s15], [sflag:$0x1] =	stream.indirect_vreg.gather [hbm4b:s1+s3], $0x80, v4, vm0, $0xb8;
	[tilespmem:$0x8200] =	vst v63  }
0x88: {  	_ = 	snop  }
0x89: {  	[tilespmem:s16], [sflag:$0x1] =	stream.indirect_vreg.gather [hbm4b:s1+s3], $0x80, v3, vm0, $0xb8;
	[tilespmem:$0x8200] =	vst v63  }
0x8a: {  	v3 =	vld [tilespmem:$0xB0];
	_ =	sdelay $0x4  }
0x8b: {  	v43 =	vshll.u32 v3, $0x1  }
0x8c: {  	v3 =	vand.u32 $0x7, v3;
	v4 =	vand.u32 $0xFFFFFFF0, v43  }
0x8d: {  	v3 =	vor.u32 v3, v4  }
0x8e: {  	v4 =	vperm.xlane v3, v0;
	_ =	sdelay $0x1  }
0x8f: {  	v3 =	vperm.xlane v3, v2;
	v4 =	vadd.s32 v1, v4;
	_ =	sdelay $0x1  }
0x90: {  	v3 =	vadd.s32 v1, v3;
	_ =	sdelay $0x2  }
0x91: {  	[tilespmem:s17], [sflag:$0x1] =	stream.indirect_vreg.gather [hbm4b:s1+s3], $0x80, v4, vm0, $0xb8;
	[tilespmem:$0x8200] =	vst v63  }
0x92: {  	_ = 	snop  }
0x93: {  	[tilespmem:s18], [sflag:$0x1] =	stream.indirect_vreg.gather [hbm4b:s1+s3], $0x80, v3, vm0, $0xb8;
	[tilespmem:$0x8200] =	vst v63  }
0x94: {  	v3 =	vld [tilespmem:$0xC0];
	_ =	sdelay $0x4  }
0x95: {  	v44 =	vshll.u32 v3, $0x1  }
0x96: {  	v3 =	vand.u32 $0x7, v3;
	v4 =	vand.u32 $0xFFFFFFF0, v44  }
0x97: {  	v3 =	vor.u32 v3, v4  }
0x98: {  	v4 =	vperm.xlane v3, v0;
	_ =	sdelay $0x1  }
0x99: {  	v3 =	vperm.xlane v3, v2;
	v4 =	vadd.s32 v1, v4;
	_ =	sdelay $0x1  }
0x9a: {  	v3 =	vadd.s32 v1, v3;
	_ =	sdelay $0x2  }
0x9b: {  	[tilespmem:s19], [sflag:$0x1] =	stream.indirect_vreg.gather [hbm4b:s1+s3], $0x80, v4, vm0, $0xb8;
	[tilespmem:$0x8200] =	vst v63  }
0x9c: {  	_ = 	snop  }
0x9d: {  	[tilespmem:s20], [sflag:$0x1] =	stream.indirect_vreg.gather [hbm4b:s1+s3], $0x80, v3, vm0, $0xb8;
	[tilespmem:$0x8200] =	vst v63  }
0x9e: {  	v3 =	vld [tilespmem:$0xD0];
	_ =	sdelay $0x4  }
0x9f: {  	v45 =	vshll.u32 v3, $0x1  }
0xa0: {  	v3 =	vand.u32 $0x7, v3;
	v4 =	vand.u32 $0xFFFFFFF0, v45  }
0xa1: {  	v3 =	vor.u32 v3, v4  }
0xa2: {  	v4 =	vperm.xlane v3, v0;
	_ =	sdelay $0x1  }
0xa3: {  	v3 =	vperm.xlane v3, v2;
	v4 =	vadd.s32 v1, v4;
	_ =	sdelay $0x1  }
0xa4: {  	v3 =	vadd.s32 v1, v3;
	_ =	sdelay $0x2  }
0xa5: {  	[tilespmem:s21], [sflag:$0x1] =	stream.indirect_vreg.gather [hbm4b:s1+s3], $0x80, v4, vm0, $0xb8;
	[tilespmem:$0x8200] =	vst v63  }
0xa6: {  	_ = 	snop  }
0xa7: {  	[tilespmem:s22], [sflag:$0x1] =	stream.indirect_vreg.gather [hbm4b:s1+s3], $0x80, v3, vm0, $0xb8;
	[tilespmem:$0x8200] =	vst v63  }
0xa8: {  	v3 =	vld [tilespmem:$0xE0];
	_ =	sdelay $0x4  }
0xa9: {  	v46 =	vshll.u32 v3, $0x1  }
0xaa: {  	v3 =	vand.u32 $0x7, v3;
	v4 =	vand.u32 $0xFFFFFFF0, v46  }
0xab: {  	v3 =	vor.u32 v3, v4  }
0xac: {  	v4 =	vperm.xlane v3, v0;
	_ =	sdelay $0x1  }
0xad: {  	v3 =	vperm.xlane v3, v2;
	v4 =	vadd.s32 v1, v4;
	_ =	sdelay $0x1  }
0xae: {  	v3 =	vadd.s32 v1, v3;
	_ =	sdelay $0x2  }
0xaf: {  	[tilespmem:s23], [sflag:$0x1] =	stream.indirect_vreg.gather [hbm4b:s1+s3], $0x80, v4, vm0, $0xb8;
	[tilespmem:$0x8200] =	vst v63  }
0xb0: {  	_ = 	snop  }
0xb1: {  	[tilespmem:s24], [sflag:$0x1] =	stream.indirect_vreg.gather [hbm4b:s1+s3], $0x80, v3, vm0, $0xb8;
	[tilespmem:$0x8200] =	vst v63  }
0xb2: {  	v3 =	vld [tilespmem:$0xF0];
	_ =	sdelay $0x4  }
0xb3: {  	v47 =	vshll.u32 v3, $0x1  }
0xb4: {  	v3 =	vand.u32 $0x7, v3;
	v4 =	vand.u32 $0xFFFFFFF0, v47  }
0xb5: {  	v3 =	vor.u32 v3, v4  }
0xb6: {  	v4 =	vperm.xlane v3, v0;
	_ =	sdelay $0x1  }
0xb7: {  	v3 =	vperm.xlane v3, v2;
	v4 =	vadd.s32 v1, v4;
	_ =	sdelay $0x1  }
0xb8: {  	v3 =	vadd.s32 v1, v3;
	_ =	sdelay $0x2  }
0xb9: {  	[tilespmem:s25], [sflag:$0x1] =	stream.indirect_vreg.gather [hbm4b:s1+s3], $0x80, v4, vm0, $0xb8;
	[tilespmem:$0x8200] =	vst v63  }
0xba: {  	_ = 	snop  }
0xbb: {  	[tilespmem:s26], [sflag:$0x1] =	stream.indirect_vreg.gather [hbm4b:s1+s3], $0x80, v3, vm0, $0xb8;
	[tilespmem:$0x8200] =	vst v63  }
0xbc: {  	_ =	swait.ge [sflag:s28], $0x8000  }
0xbd: {  	[sflag:s28] =	ssyncset.done $0x0  }
0xbe: {  	[sflag:s28] =	ssyncadd.s32 $0xFFFF8000  }
0xbf: {  	[hbm4b:s6+s3] =	stream.linear.scatter [tilespmem:s11], [sflag:$0x2], $0x8000, $0x38;
	[tilespmem:$0x8200] =	vst v63  }
0xc0: {  	_ =	swait.ge [sflag:s10], $0x8000  }
0xc1: {  	[sflag:s10] =	ssyncset.done $0x0  }
0xc2: {  	[sflag:s10] =	ssyncadd.s32 $0xFFFF8000  }
0xc3: {  	v3 =	vld [tilespmem:$0x100];
	_ =	sdelay $0x4  }
0xc4: {  	v48 =	vshll.u32 v3, $0x1  }
0xc5: {  	v3 =	vand.u32 $0x7, v3;
	v4 =	vand.u32 $0xFFFFFFF0, v48  }
0xc6: {  	v3 =	vor.u32 v3, v4  }
0xc7: {  	v4 =	vperm.xlane v3, v0;
	_ =	sdelay $0x1  }
0xc8: {  	v3 =	vperm.xlane v3, v2;
	v4 =	vadd.s32 v1, v4;
	_ =	sdelay $0x1  }
0xc9: {  	v3 =	vadd.s32 v1, v3;
	_ =	sdelay $0x2  }
0xca: {  	[tilespmem:s11], [sflag:$0x1] =	stream.indirect_vreg.gather [hbm4b:s1+s3], $0x80, v4, vm0, $0xb8;
	[tilespmem:$0x8200] =	vst v63  }
0xcb: {  	_ = 	snop  }
0xcc: {  	[tilespmem:s12], [sflag:$0x1] =	stream.indirect_vreg.gather [hbm4b:s1+s3], $0x80, v3, vm0, $0xb8;
	[tilespmem:$0x8200] =	vst v63  }
0xcd: {  	v3 =	vld [tilespmem:$0x110];
	_ =	sdelay $0x4  }
0xce: {  	v49 =	vshll.u32 v3, $0x1  }
0xcf: {  	v3 =	vand.u32 $0x7, v3;
	v4 =	vand.u32 $0xFFFFFFF0, v49  }
0xd0: {  	v3 =	vor.u32 v3, v4  }
0xd1: {  	v4 =	vperm.xlane v3, v0;
	_ =	sdelay $0x1  }
0xd2: {  	v3 =	vperm.xlane v3, v2;
	v4 =	vadd.s32 v1, v4;
	_ =	sdelay $0x1  }
0xd3: {  	v3 =	vadd.s32 v1, v3;
	_ =	sdelay $0x2  }
0xd4: {  	[tilespmem:s13], [sflag:$0x1] =	stream.indirect_vreg.gather [hbm4b:s1+s3], $0x80, v4, vm0, $0xb8;
	[tilespmem:$0x8200] =	vst v63  }
0xd5: {  	_ = 	snop  }
0xd6: {  	[tilespmem:s14], [sflag:$0x1] =	stream.indirect_vreg.gather [hbm4b:s1+s3], $0x80, v3, vm0, $0xb8;
	[tilespmem:$0x8200] =	vst v63  }
0xd7: {  	v3 =	vld [tilespmem:$0x120];
	_ =	sdelay $0x4  }
0xd8: {  	v50 =	vshll.u32 v3, $0x1  }
0xd9: {  	v3 =	vand.u32 $0x7, v3;
	v4 =	vand.u32 $0xFFFFFFF0, v50  }
0xda: {  	v3 =	vor.u32 v3, v4  }
0xdb: {  	v4 =	vperm.xlane v3, v0;
	_ =	sdelay $0x1  }
0xdc: {  	v3 =	vperm.xlane v3, v2;
	v4 =	vadd.s32 v1, v4;
	_ =	sdelay $0x1  }
0xdd: {  	v3 =	vadd.s32 v1, v3;
	_ =	sdelay $0x2  }
0xde: {  	[tilespmem:s15], [sflag:$0x1] =	stream.indirect_vreg.gather [hbm4b:s1+s3], $0x80, v4, vm0, $0xb8;
	[tilespmem:$0x8200] =	vst v63  }
0xdf: {  	_ = 	snop  }
0xe0: {  	[tilespmem:s16], [sflag:$0x1] =	stream.indirect_vreg.gather [hbm4b:s1+s3], $0x80, v3, vm0, $0xb8;
	[tilespmem:$0x8200] =	vst v63  }
0xe1: {  	v3 =	vld [tilespmem:$0x130];
	_ =	sdelay $0x4  }
0xe2: {  	v51 =	vshll.u32 v3, $0x1  }
0xe3: {  	v3 =	vand.u32 $0x7, v3;
	v4 =	vand.u32 $0xFFFFFFF0, v51  }
0xe4: {  	v3 =	vor.u32 v3, v4  }
0xe5: {  	v4 =	vperm.xlane v3, v0;
	_ =	sdelay $0x1  }
0xe6: {  	v3 =	vperm.xlane v3, v2;
	v4 =	vadd.s32 v1, v4;
	_ =	sdelay $0x1  }
0xe7: {  	v3 =	vadd.s32 v1, v3;
	_ =	sdelay $0x2  }
0xe8: {  	[tilespmem:s17], [sflag:$0x1] =	stream.indirect_vreg.gather [hbm4b:s1+s3], $0x80, v4, vm0, $0xb8;
	[tilespmem:$0x8200] =	vst v63  }
0xe9: {  	_ = 	snop  }
0xea: {  	[tilespmem:s18], [sflag:$0x1] =	stream.indirect_vreg.gather [hbm4b:s1+s3], $0x80, v3, vm0, $0xb8;
	[tilespmem:$0x8200] =	vst v63  }
0xeb: {  	v3 =	vld [tilespmem:$0x140];
	_ =	sdelay $0x4  }
0xec: {  	v52 =	vshll.u32 v3, $0x1  }
0xed: {  	v3 =	vand.u32 $0x7, v3;
	v4 =	vand.u32 $0xFFFFFFF0, v52  }
0xee: {  	v3 =	vor.u32 v3, v4  }
0xef: {  	v4 =	vperm.xlane v3, v0;
	_ =	sdelay $0x1  }
0xf0: {  	v3 =	vperm.xlane v3, v2;
	v4 =	vadd.s32 v1, v4;
	_ =	sdelay $0x1  }
0xf1: {  	v3 =	vadd.s32 v1, v3;
	_ =	sdelay $0x2  }
0xf2: {  	[tilespmem:s19], [sflag:$0x1] =	stream.indirect_vreg.gather [hbm4b:s1+s3], $0x80, v4, vm0, $0xb8;
	[tilespmem:$0x8200] =	vst v63  }
0xf3: {  	_ = 	snop  }
0xf4: {  	[tilespmem:s20], [sflag:$0x1] =	stream.indirect_vreg.gather [hbm4b:s1+s3], $0x80, v3, vm0, $0xb8;
	[tilespmem:$0x8200] =	vst v63  }
0xf5: {  	v3 =	vld [tilespmem:$0x150];
	_ =	sdelay $0x4  }
0xf6: {  	v53 =	vshll.u32 v3, $0x1  }
0xf7: {  	v3 =	vand.u32 $0x7, v3;
	v4 =	vand.u32 $0xFFFFFFF0, v53  }
0xf8: {  	v3 =	vor.u32 v3, v4  }
0xf9: {  	v4 =	vperm.xlane v3, v0;
	_ =	sdelay $0x1  }
0xfa: {  	v3 =	vperm.xlane v3, v2;
	v4 =	vadd.s32 v1, v4;
	_ =	sdelay $0x1  }
0xfb: {  	v3 =	vadd.s32 v1, v3;
	_ =	sdelay $0x2  }
0xfc: {  	[tilespmem:s21], [sflag:$0x1] =	stream.indirect_vreg.gather [hbm4b:s1+s3], $0x80, v4, vm0, $0xb8;
	[tilespmem:$0x8200] =	vst v63  }
0xfd: {  	_ = 	snop  }
0xfe: {  	[tilespmem:s22], [sflag:$0x1] =	stream.indirect_vreg.gather [hbm4b:s1+s3], $0x80, v3, vm0, $0xb8;
	[tilespmem:$0x8200] =	vst v63  }
0xff: {  	v3 =	vld [tilespmem:$0x160];
	_ =	sdelay $0x4  }
0x100: {  	v54 =	vshll.u32 v3, $0x1  }
0x101: {  	v3 =	vand.u32 $0x7, v3;
	v4 =	vand.u32 $0xFFFFFFF0, v54  }
0x102: {  	v3 =	vor.u32 v3, v4  }
0x103: {  	v4 =	vperm.xlane v3, v0;
	_ =	sdelay $0x1  }
0x104: {  	v3 =	vperm.xlane v3, v2;
	v4 =	vadd.s32 v1, v4;
	_ =	sdelay $0x1  }
0x105: {  	v3 =	vadd.s32 v1, v3;
	_ =	sdelay $0x2  }
0x106: {  	[tilespmem:s23], [sflag:$0x1] =	stream.indirect_vreg.gather [hbm4b:s1+s3], $0x80, v4, vm0, $0xb8;
	[tilespmem:$0x8200] =	vst v63  }
0x107: {  	_ = 	snop  }
0x108: {  	[tilespmem:s24], [sflag:$0x1] =	stream.indirect_vreg.gather [hbm4b:s1+s3], $0x80, v3, vm0, $0xb8;
	[tilespmem:$0x8200] =	vst v63  }
0x109: {  	v3 =	vld [tilespmem:$0x170];
	_ =	sdelay $0x4  }
0x10a: {  	v55 =	vshll.u32 v3, $0x1  }
0x10b: {  	v3 =	vand.u32 $0x7, v3;
	v4 =	vand.u32 $0xFFFFFFF0, v55  }
0x10c: {  	v3 =	vor.u32 v3, v4  }
0x10d: {  	v4 =	vperm.xlane v3, v0;
	_ =	sdelay $0x1  }
0x10e: {  	v3 =	vperm.xlane v3, v2;
	v4 =	vadd.s32 v1, v4;
	_ =	sdelay $0x1  }
0x10f: {  	v3 =	vadd.s32 v1, v3;
	_ =	sdelay $0x2  }
0x110: {  	[tilespmem:s25], [sflag:$0x1] =	stream.indirect_vreg.gather [hbm4b:s1+s3], $0x80, v4, vm0, $0xb8;
	[tilespmem:$0x8200] =	vst v63  }
0x111: {  	_ = 	snop  }
0x112: {  	[tilespmem:s26], [sflag:$0x1] =	stream.indirect_vreg.gather [hbm4b:s1+s3], $0x80, v3, vm0, $0xb8;
	[tilespmem:$0x8200] =	vst v63  }
0x113: {  	_ =	swait.ge [sflag:s28], $0x8000  }
0x114: {  	[sflag:s28] =	ssyncset.done $0x0  }
0x115: {  	[sflag:s28] =	ssyncadd.s32 $0xFFFF8000  }
0x116: {  	[hbm4b:s7+s3] =	stream.linear.scatter [tilespmem:s11], [sflag:$0x2], $0x8000, $0x38;
	[tilespmem:$0x8200] =	vst v63  }
0x117: {  	_ =	swait.ge [sflag:s10], $0x8000  }
0x118: {  	[sflag:s10] =	ssyncset.done $0x0  }
0x119: {  	[sflag:s10] =	ssyncadd.s32 $0xFFFF8000  }
0x11a: {  	v3 =	vld [tilespmem:$0x180];
	_ =	sdelay $0x4  }
0x11b: {  	v56 =	vshll.u32 v3, $0x1  }
0x11c: {  	v3 =	vand.u32 $0x7, v3;
	v4 =	vand.u32 $0xFFFFFFF0, v56  }
0x11d: {  	v3 =	vor.u32 v3, v4  }
0x11e: {  	v4 =	vperm.xlane v3, v0;
	_ =	sdelay $0x1  }
0x11f: {  	v3 =	vperm.xlane v3, v2;
	v4 =	vadd.s32 v1, v4;
	_ =	sdelay $0x1  }
0x120: {  	v3 =	vadd.s32 v1, v3;
	_ =	sdelay $0x2  }
0x121: {  	[tilespmem:s11], [sflag:$0x1] =	stream.indirect_vreg.gather [hbm4b:s1+s3], $0x80, v4, vm0, $0xb8;
	[tilespmem:$0x8200] =	vst v63  }
0x122: {  	_ = 	snop  }
0x123: {  	[tilespmem:s12], [sflag:$0x1] =	stream.indirect_vreg.gather [hbm4b:s1+s3], $0x80, v3, vm0, $0xb8;
	[tilespmem:$0x8200] =	vst v63  }
0x124: {  	v3 =	vld [tilespmem:$0x190];
	_ =	sdelay $0x4  }
0x125: {  	v57 =	vshll.u32 v3, $0x1  }
0x126: {  	v3 =	vand.u32 $0x7, v3;
	v4 =	vand.u32 $0xFFFFFFF0, v57  }
0x127: {  	v3 =	vor.u32 v3, v4  }
0x128: {  	v4 =	vperm.xlane v3, v0;
	_ =	sdelay $0x1  }
0x129: {  	v3 =	vperm.xlane v3, v2;
	v4 =	vadd.s32 v1, v4;
	_ =	sdelay $0x1  }
0x12a: {  	v3 =	vadd.s32 v1, v3;
	_ =	sdelay $0x2  }
0x12b: {  	[tilespmem:s13], [sflag:$0x1] =	stream.indirect_vreg.gather [hbm4b:s1+s3], $0x80, v4, vm0, $0xb8;
	[tilespmem:$0x8200] =	vst v63  }
0x12c: {  	_ = 	snop  }
0x12d: {  	[tilespmem:s14], [sflag:$0x1] =	stream.indirect_vreg.gather [hbm4b:s1+s3], $0x80, v3, vm0, $0xb8;
	[tilespmem:$0x8200] =	vst v63  }
0x12e: {  	v3 =	vld [tilespmem:$0x1A0];
	_ =	sdelay $0x4  }
0x12f: {  	v58 =	vshll.u32 v3, $0x1  }
0x130: {  	v3 =	vand.u32 $0x7, v3;
	v4 =	vand.u32 $0xFFFFFFF0, v58  }
0x131: {  	v3 =	vor.u32 v3, v4  }
0x132: {  	v4 =	vperm.xlane v3, v0;
	_ =	sdelay $0x1  }
0x133: {  	v3 =	vperm.xlane v3, v2;
	v4 =	vadd.s32 v1, v4;
	_ =	sdelay $0x1  }
0x134: {  	v3 =	vadd.s32 v1, v3;
	_ =	sdelay $0x2  }
0x135: {  	[tilespmem:s15], [sflag:$0x1] =	stream.indirect_vreg.gather [hbm4b:s1+s3], $0x80, v4, vm0, $0xb8;
	[tilespmem:$0x8200] =	vst v63  }
0x136: {  	_ = 	snop  }
0x137: {  	[tilespmem:s16], [sflag:$0x1] =	stream.indirect_vreg.gather [hbm4b:s1+s3], $0x80, v3, vm0, $0xb8;
	[tilespmem:$0x8200] =	vst v63  }
0x138: {  	v3 =	vld [tilespmem:$0x1B0];
	_ =	sdelay $0x4  }
0x139: {  	v59 =	vshll.u32 v3, $0x1  }
0x13a: {  	v3 =	vand.u32 $0x7, v3;
	v4 =	vand.u32 $0xFFFFFFF0, v59  }
0x13b: {  	v3 =	vor.u32 v3, v4  }
0x13c: {  	v4 =	vperm.xlane v3, v0;
	_ =	sdelay $0x1  }
0x13d: {  	v3 =	vperm.xlane v3, v2;
	v4 =	vadd.s32 v1, v4;
	_ =	sdelay $0x1  }
0x13e: {  	v3 =	vadd.s32 v1, v3;
	_ =	sdelay $0x2  }
0x13f: {  	[tilespmem:s17], [sflag:$0x1] =	stream.indirect_vreg.gather [hbm4b:s1+s3], $0x80, v4, vm0, $0xb8;
	[tilespmem:$0x8200] =	vst v63  }
0x140: {  	_ = 	snop  }
0x141: {  	[tilespmem:s18], [sflag:$0x1] =	stream.indirect_vreg.gather [hbm4b:s1+s3], $0x80, v3, vm0, $0xb8;
	[tilespmem:$0x8200] =	vst v63  }
0x142: {  	v3 =	vld [tilespmem:$0x1C0];
	_ =	sdelay $0x4  }
0x143: {  	v60 =	vshll.u32 v3, $0x1  }
0x144: {  	v3 =	vand.u32 $0x7, v3;
	v4 =	vand.u32 $0xFFFFFFF0, v60  }
0x145: {  	v3 =	vor.u32 v3, v4  }
0x146: {  	v4 =	vperm.xlane v3, v0;
	_ =	sdelay $0x1  }
0x147: {  	v3 =	vperm.xlane v3, v2;
	v4 =	vadd.s32 v1, v4;
	_ =	sdelay $0x1  }
0x148: {  	v3 =	vadd.s32 v1, v3;
	_ =	sdelay $0x2  }
0x149: {  	[tilespmem:s19], [sflag:$0x1] =	stream.indirect_vreg.gather [hbm4b:s1+s3], $0x80, v4, vm0, $0xb8;
	[tilespmem:$0x8200] =	vst v63  }
0x14a: {  	_ = 	snop  }
0x14b: {  	[tilespmem:s20], [sflag:$0x1] =	stream.indirect_vreg.gather [hbm4b:s1+s3], $0x80, v3, vm0, $0xb8;
	[tilespmem:$0x8200] =	vst v63  }
0x14c: {  	v3 =	vld [tilespmem:$0x1D0];
	_ =	sdelay $0x4  }
0x14d: {  	v61 =	vshll.u32 v3, $0x1  }
0x14e: {  	v3 =	vand.u32 $0x7, v3;
	v4 =	vand.u32 $0xFFFFFFF0, v61  }
0x14f: {  	v3 =	vor.u32 v3, v4  }
0x150: {  	v4 =	vperm.xlane v3, v0;
	_ =	sdelay $0x1  }
0x151: {  	v3 =	vperm.xlane v3, v2;
	v4 =	vadd.s32 v1, v4;
	_ =	sdelay $0x1  }
0x152: {  	v3 =	vadd.s32 v1, v3;
	_ =	sdelay $0x2  }
0x153: {  	[tilespmem:s21], [sflag:$0x1] =	stream.indirect_vreg.gather [hbm4b:s1+s3], $0x80, v4, vm0, $0xb8;
	[tilespmem:$0x8200] =	vst v63  }
0x154: {  	_ = 	snop  }
0x155: {  	[tilespmem:s22], [sflag:$0x1] =	stream.indirect_vreg.gather [hbm4b:s1+s3], $0x80, v3, vm0, $0xb8;
	[tilespmem:$0x8200] =	vst v63  }
0x156: {  	v3 =	vld [tilespmem:$0x1E0];
	_ =	sdelay $0x4  }
0x157: {  	v62 =	vshll.u32 v3, $0x1  }
0x158: {  	v3 =	vand.u32 $0x7, v3;
	v4 =	vand.u32 $0xFFFFFFF0, v62  }
0x159: {  	v3 =	vor.u32 v3, v4  }
0x15a: {  	v4 =	vperm.xlane v3, v0;
	_ =	sdelay $0x1  }
0x15b: {  	v3 =	vperm.xlane v3, v2;
	v4 =	vadd.s32 v1, v4;
	_ =	sdelay $0x1  }
0x15c: {  	v3 =	vadd.s32 v1, v3;
	_ =	sdelay $0x2  }
0x15d: {  	[tilespmem:s23], [sflag:$0x1] =	stream.indirect_vreg.gather [hbm4b:s1+s3], $0x80, v4, vm0, $0xb8;
	[tilespmem:$0x8200] =	vst v63  }
0x15e: {  	_ = 	snop  }
0x15f: {  	[tilespmem:s24], [sflag:$0x1] =	stream.indirect_vreg.gather [hbm4b:s1+s3], $0x80, v3, vm0, $0xb8;
	[tilespmem:$0x8200] =	vst v63  }
0x160: {  	v3 =	vld [tilespmem:$0x1F0];
	_ =	sdelay $0x4  }
0x161: {  	v63 =	vshll.u32 v3, $0x1  }
0x162: {  	v3 =	vand.u32 $0x7, v3;
	v4 =	vand.u32 $0xFFFFFFF0, v63  }
0x163: {  	v3 =	vor.u32 v3, v4  }
0x164: {  	v4 =	vperm.xlane v3, v0;
	_ =	sdelay $0x1  }
0x165: {  	v3 =	vperm.xlane v3, v2;
	v4 =	vadd.s32 v1, v4;
	_ =	sdelay $0x1  }
0x166: {  	v3 =	vadd.s32 v1, v3;
	_ =	sdelay $0x2  }
0x167: {  	[tilespmem:s25], [sflag:$0x1] =	stream.indirect_vreg.gather [hbm4b:s1+s3], $0x80, v4, vm0, $0xb8;
	[tilespmem:$0x8200] =	vst v63  }
0x168: {  	_ = 	snop  }
0x169: {  	[tilespmem:s26], [sflag:$0x1] =	stream.indirect_vreg.gather [hbm4b:s1+s3], $0x80, v3, vm0, $0xb8;
	[tilespmem:$0x8200] =	vst v63  }
0x16a: {  	_ =	swait.ge [sflag:s28], $0x8000  }
0x16b: {  	p0 =	sne.s32 s9, $0x1;
	[sflag:s28] =	ssyncset.done $0x0  }
.Ltmp0:
0x16c: {  	[sflag:s28] =	ssyncadd.s32 $0xFFFF8000;
	(pc) =	sbr.rel @p0 .LBB2_1-.Ltmp0, $4  }
0x16d: {  	[hbm4b:s8+s3] =	stream.linear.scatter [tilespmem:s11], [sflag:$0x2], $0x8000, $0x38;
	[tilespmem:$0x8200] =	vst v63  }
0x16e: {  	_ =	swait.ge [sflag:s10], $0x8000  }
0x16f: {  	[sflag:s10] =	ssyncset.done $0x0  }
0x170: {  	s9 =	sadd.s32 $0xFFFFFFFF, s9;
	[sflag:s10] =	ssyncadd.s32 $0xFFFF8000  }
0x171: {  	_ =	sfence.sel $0x180000  }
0x172: {  	[bflag:$0x0] =	sbarrier.arrive $0xFFFF  }
0x173: {  	p0 =	sne.s32 s2, $0x0;
	_ =	strace $0x90000047  }
0x174: {  	s0 =	sadd.s32 @!p0 $0x100000, s0;
	[bflag:$0x2] =	sbarrier.arrive $0xFFFF  }
0x175: {  	[sflag:s0] =	ssyncadd.tile.s32 @!p0 $0x1;
	_ =	shalt  }
.Lfunc_end2:
_tile_overlayer_lowered:
.L_overlay_start_2:
0x176: {  	(tag) =	ssettag $0x2  }
0x177: {  	s0 =	rddreg [dreg:$0x0];
	s2 =	stileid.u32  }
0x178: {  	s1 =	rddreg [dreg:$0x1];
	p0 =	sne.s32 s2, $0x0  }
0x179: {  	s3 =	rddreg [dreg:$0x2];
	[bflag:$0x3] =	sbarrier.arrive $0xFFFF;
	s2 =	simm.s32 @!p0 $0x1C02  }
0x17a: {  	[timem:s3], [sflag:s2] =	dma.local @!p0 [hbm:s0], s1  }
0x17b: {  	s0 =	simm.s32 @!p0 $0x2  }
0x17c: {  	_ =	swait.ge @!p0 [sflag:s0], s1  }
0x17d: {  	s1 =	ssub.s32 @!p0 $0x0, s1;
	[sflag:s0] =	ssyncset.done @!p0 $0x0  }
0x17e: {  	[sflag:s0] =	ssyncadd.s32 @!p0 s1  }
0x17f: {  	[bflag:$0x3] =	sbarrier.arrive $0xFFFF  }
0x180: {  	_ =	shalt  }

</sc_bundles>
